<compile_context>
chip_gen: v7x
topology: tpu7x:2x2x1
jax: 0.10.2.dev20260603
libtpu: 0.0.44.dev20260713+nightly
codegen_flags: <defaults>
</compile_context>

<pallas_src>
import functools

import jax
import jax.numpy as jnp
from jax import lax
from jax.experimental import pallas as pl
from jax.experimental.pallas import tpu as pltpu
from jax.experimental.pallas import tpu_sc as plsc

B, N, D, K = 4, 4096, 3, 20
Q = 512
NB = N // Q
I32MAX = 0x7FFFFFFF


def _knn_body(xp_ref, xt_ref, idx_ref):
    b = pl.program_id(0)
    xp = xp_ref[0]
    xt = xt_ref[0]
    k0, k1, k2 = xt[0:1, :], xt[1:2, :], xt[2:3, :]
    ksq = k0 * k0 + k1 * k1 + k2 * k2
    qsq = jnp.sum(xp * xp, axis=1, keepdims=True)
    xp_aug = jnp.concatenate([xp * -2.0, qsq], axis=1)
    ones = jnp.ones((1, N), jnp.float32)
    xt_aug = jnp.concatenate([xt, ones], axis=0)
    dist = jnp.dot(xp_aug, xt_aug,
                   preferred_element_type=jnp.float32) + ksq
    dist_c = jnp.maximum(dist, 1e-30)
    bits = lax.bitcast_convert_type(dist_c, jnp.int32)
    jcol = lax.broadcasted_iota(jnp.int32, (Q, N), 1)
    key = lax.bitcast_convert_type((bits & -4096) | jcol, jnp.float32)
    ms = []
    for _ in range(K):
        m = jnp.min(key, axis=1, keepdims=True)
        ms.append(m)
        key = jnp.where(key == m, float("inf"), key)
    sel = lax.bitcast_convert_type(jnp.concatenate(ms, axis=1), jnp.int32)
    idx_ref[0] = (sel & 4095) + b * N


def _knn_call(x, xt):
    return pl.pallas_call(
        _knn_body,
        grid=(B, NB),
        in_specs=[
            pl.BlockSpec((1, Q, D), lambda b, nb: (b, nb, 0)),
            pl.BlockSpec((1, D, N), lambda b, nb: (b, 0, 0)),
        ],
        out_specs=pl.BlockSpec((1, Q, K), lambda b, nb: (b, nb, 0)),
        out_shape=jax.ShapeDtypeStruct((B, N, K), jnp.int32),
    )(x, xt)


_NW = 32
_TOT = B * N * K
_CH = _TOT // _NW
_NF = B * N


def _sc_gather(x0, x1, x2, idx_flat):
    mesh = plsc.VectorSubcoreMesh(core_axis_name="c", subcore_axis_name="s")

    @functools.partial(
        pl.kernel,
        mesh=mesh,
        compiler_params=pltpu.CompilerParams(needs_layout_passes=False),
        out_type=[jax.ShapeDtypeStruct((_TOT,), jnp.float32)] * 3,
        scratch_types=[
            pltpu.VMEM((_NF,), jnp.float32),
            pltpu.VMEM((_NF,), jnp.float32),
            pltpu.VMEM((_NF,), jnp.float32),
            pltpu.VMEM((_CH,), jnp.int32),
            pltpu.VMEM((_CH,), jnp.float32),
            pltpu.VMEM((_CH,), jnp.float32),
            pltpu.VMEM((_CH,), jnp.float32),
        ],
    )
    def gather_k(x0h, x1h, x2h, idxh, o0h, o1h, o2h,
                 x0v, x1v, x2v, idxv, o0v, o1v, o2v):
        wid = lax.axis_index("s") * 2 + lax.axis_index("c")
        base = wid * _CH
        pltpu.sync_copy(x0h, x0v)
        pltpu.sync_copy(x1h, x1v)
        pltpu.sync_copy(x2h, x2v)
        pltpu.sync_copy(idxh.at[pl.ds(base, _CH)], idxv)

        def body(g, _):
            off = pl.multiple_of(g * 16, 16)
            iv = idxv[pl.ds(off, 16)]
            o0v[pl.ds(off, 16)] = plsc.load_gather(x0v, [iv])
            o1v[pl.ds(off, 16)] = plsc.load_gather(x1v, [iv])
            o2v[pl.ds(off, 16)] = plsc.load_gather(x2v, [iv])
            return _

        lax.fori_loop(0, _CH // 16, body, None)
        pltpu.sync_copy(o0v, o0h.at[pl.ds(base, _CH)])
        pltpu.sync_copy(o1v, o1h.at[pl.ds(base, _CH)])
        pltpu.sync_copy(o2v, o2h.at[pl.ds(base, _CH)])

    return gather_k(x0, x1, x2, idx_flat)


def _mlp_body(xp_ref, n0_ref, n1_ref, n2_ref, w1_ref, b1_ref, w2_ref, b2_ref,
              w3_ref, b3_ref, g_ref):
    nb = pl.program_id(1)
    xp = xp_ref[0]
    w1 = w1_ref[...]
    wd = w1[0:3, :] - w1[3:6, :]
    cb = jnp.dot(xp, wd, preferred_element_type=jnp.float32) + b1_ref[...]
    w2 = w2_ref[...]
    b2 = b2_ref[...]
    lane_blk = jnp.right_shift(
        lax.broadcasted_iota(jnp.int32, (K, K * 64), 1), 6)
    row = lax.broadcasted_iota(jnp.int32, (K, K * 64), 0)
    blk = lane_blk == row
    bn = None
    for d, nd_ref in ((0, n0_ref), (1, n1_ref), (2, n2_ref)):
        wt = jnp.concatenate([w1[3 + d:4 + d, :]] * K, axis=1)
        wdg = jnp.where(blk, wt, 0.0)
        p = jnp.dot(nd_ref[0], wdg, preferred_element_type=jnp.float32)
        bn = p if bn is None else bn + p
    cbt = jnp.concatenate([cb] * K, axis=1)
    h1f = jnp.maximum(bn + cbt, 0.0)
    acc = None
    for k in range(K):
        h1k = h1f[:, k * 64:(k + 1) * 64]
        h2 = jnp.maximum(
            jnp.dot(h1k, w2, preferred_element_type=jnp.float32) + b2, 0.0)
        acc = h2 if acc is None else jnp.maximum(acc, h2)
    h3 = jnp.maximum(
        jnp.dot(acc, w3_ref[...], preferred_element_type=jnp.float32)
        + b3_ref[...], 0.0)
    part = jnp.max(h3, axis=0, keepdims=True)[None]

    @pl.when(nb == 0)
    def _():
        g_ref[...] = part

    @pl.when(nb != 0)
    def _():
        g_ref[...] = jnp.maximum(g_ref[...], part)


def _mlp_call(x, n0, n1, n2, w1, b1, w2, b2, w3, b3):
    full = lambda shape: pl.BlockSpec(shape, lambda b, nb: tuple(0 for _ in shape))
    return pl.pallas_call(
        _mlp_body,
        grid=(B, NB),
        in_specs=[
            pl.BlockSpec((1, Q, D), lambda b, nb: (b, nb, 0)),
            pl.BlockSpec((1, Q, K), lambda b, nb: (b, nb, 0)),
            pl.BlockSpec((1, Q, K), lambda b, nb: (b, nb, 0)),
            pl.BlockSpec((1, Q, K), lambda b, nb: (b, nb, 0)),
            full((6, 64)), full((1, 64)),
            full((64, 128)), full((1, 128)),
            full((128, 1024)), full((1, 1024)),
        ],
        out_specs=pl.BlockSpec((1, 1, 1024), lambda b, nb: (b, 0, 0)),
        out_shape=jax.ShapeDtypeStruct((B, 1, 1024), jnp.float32),
    )(x, n0, n1, n2, w1, b1, w2, b2, w3, b3)


def _tail_body(g_ref, w1_ref, b1_ref, w2_ref, b2_ref, tw_ref, tb_ref, t_ref):
    g = g_ref[...]
    g1 = jnp.maximum(
        jnp.dot(g, w1_ref[...], preferred_element_type=jnp.float32)
        + b1_ref[...], 0.0)
    g2 = jnp.maximum(
        jnp.dot(g1, w2_ref[...], preferred_element_type=jnp.float32)
        + b2_ref[...], 0.0)
    t_ref[...] = jnp.dot(g2, tw_ref[...],
                         preferred_element_type=jnp.float32) + tb_ref[...]


def _tail_call(g, w1, b1, w2, b2, tw, tb):
    full = lambda shape: pl.BlockSpec(shape, lambda: tuple(0 for _ in shape))
    return pl.pallas_call(
        _tail_body,
        grid=(),
        in_specs=[full((B, 1024)), full((1024, 512)), full((1, 512)),
                  full((512, 256)), full((1, 256)),
                  full((256, 9)), full((1, 9))],
        out_specs=full((B, 9)),
        out_shape=jax.ShapeDtypeStruct((B, 9), jnp.float32),
    )(g, w1, b1, w2, b2, tw, tb)


def _apply_body(xp_ref, t_ref, o_ref):
    xp = xp_ref[0]
    t = t_ref[0]
    o_ref[0] = jnp.dot(xp, t, preferred_element_type=jnp.float32)


def _apply_call(x, t):
    return pl.pallas_call(
        _apply_body,
        grid=(B, NB),
        in_specs=[
            pl.BlockSpec((1, Q, D), lambda b, nb: (b, nb, 0)),
            pl.BlockSpec((1, 3, 3), lambda b, nb: (b, 0, 0)),
        ],
        out_specs=pl.BlockSpec((1, Q, D), lambda b, nb: (b, nb, 0)),
        out_shape=jax.ShapeDtypeStruct((B, N, D), jnp.float32),
    )(x, t)


def kernel(inputs, conv1_w, conv1_b, conv2_w, conv2_b, conv3_w, conv3_b,
           dense1_w, dense1_b, dense2_w, dense2_b, transform_w, transform_b):
    x = inputs
    xt = jnp.transpose(x, (0, 2, 1))
    idx = _knn_call(x, xt)
    planes = jnp.transpose(x, (2, 0, 1)).reshape(3, B * N)
    n0, n1, n2 = _sc_gather(planes[0], planes[1], planes[2],
                            idx.reshape(-1))
    n0 = n0.reshape(B, N, K)
    n1 = n1.reshape(B, N, K)
    n2 = n2.reshape(B, N, K)
    g = _mlp_call(x, n0, n1, n2, conv1_w, conv1_b.reshape(1, 64),
                  conv2_w, conv2_b.reshape(1, 128),
                  conv3_w, conv3_b.reshape(1, 1024))
    t = _tail_call(g.reshape(B, 1024), dense1_w, dense1_b.reshape(1, 512),
                   dense2_w, dense2_b.reshape(1, 256),
                   transform_w, transform_b.reshape(1, 9))
    return _apply_call(x, t.reshape(B, 3, 3))

# --- scband reference (transcript-rebuilt; emitter-appended) ---
"""Pipeline reference for scband-tnet-edge-41549513621913 (READ-ONLY COPY).

The authoritative reference and input builder live on the scoring server;
editing this copy changes nothing except your own understanding.
"""

import jax, jax.numpy as jnp
import numpy as np

B, N, D, K = 4, 4096, 3, 20

def _init(k, shape, scale=None):
    if scale is None:
        scale = 1.0 / np.sqrt(shape[0])
    return jax.random.normal(k, shape, dtype=jnp.float32) * scale

def setup_inputs(seed: int = 0) -> dict:
    key = jax.random.key(seed)
    ks = jax.random.split(key, 8)
    x = jax.random.normal(ks[0], (B, N, D), dtype=jnp.float32)
    return {
        'inputs': x,
        'conv1_w': _init(ks[1], (2 * D, 64)), 'conv1_b': jnp.zeros((64,), jnp.float32),
        'conv2_w': _init(ks[2], (64, 128)), 'conv2_b': jnp.zeros((128,), jnp.float32),
        'conv3_w': _init(ks[3], (128, 1024)), 'conv3_b': jnp.zeros((1024,), jnp.float32),
        'dense1_w': _init(ks[4], (1024, 512)), 'dense1_b': jnp.zeros((512,), jnp.float32),
        'dense2_w': _init(ks[5], (512, 256)), 'dense2_b': jnp.zeros((256,), jnp.float32),
        'transform_w': _init(ks[6], (256, D * D), scale=0.01),
        'transform_b': jnp.eye(D, dtype=jnp.float32).reshape(-1),
    }

def _pairwise_distance(x):
    x_inner = -2.0 * jnp.matmul(x, jnp.transpose(x, (0, 2, 1)))
    x_square = jnp.sum(jnp.square(x), axis=-1, keepdims=True)
    return x_square + x_inner + jnp.transpose(x_square, (0, 2, 1))

def reference(inputs, conv1_w, conv1_b, conv2_w, conv2_b, conv3_w, conv3_b,
              dense1_w, dense1_b, dense2_w, dense2_b, transform_w, transform_b):
    x = inputs
    # EdgeFeature: kNN graph via pairwise distance + top_k, gather + edge features
    pd = _pairwise_distance(x)
    _, nn_idx = jax.lax.top_k(-pd, K)            # [B, N, K]
    x_flat = x.reshape(-1, D)
    offset = (jnp.arange(B, dtype=nn_idx.dtype) * N).reshape(B, 1, 1)
    idx_flat = nn_idx + offset
    x_neighbors = jnp.take(x_flat, idx_flat, axis=0)   # [B, N, K, D]
    x_target = jnp.broadcast_to(x[:, :, None, :], (B, N, K, D))
    edge = jnp.concatenate([x_target, x_neighbors - x_target], axis=-1)  # [B,N,K,2D]
    # BlockConv [64, 128] with 1x1 kernels == per-element dense
    h = jax.nn.relu(edge @ conv1_w + conv1_b)
    h = jax.nn.relu(h @ conv2_w + conv2_b)
    # max over neighbors
    h = jnp.max(h, axis=2)                        # [B, N, 128]
    # CustomConv 1024 (1x1)
    h = jax.nn.relu(h @ conv3_w + conv3_b)        # [B, N, 1024]
    # GlobalMaxPool over points
    g = jnp.max(h, axis=1)                        # [B, 1024]
    # BlockDense [512, 256]
    g = jax.nn.relu(g @ dense1_w + dense1_b)
    g = jax.nn.relu(g @ dense2_w + dense2_b)
    # transform matrix (identity-biased) and apply
    t = (g @ transform_w + transform_b).reshape(B, D, D)
    out = jnp.matmul(x, t)                        # [B, N, D]
    return out

if __name__ == "__main__":
    import jax
    _d = setup_inputs()
    print(jax.jit(kernel)(*tuple(_d.values())))

</pallas_src>

<mosaic_0001>
#map = affine_map<(d0, d1) -> (0)>
module attributes {stable_mosaic.version = 14 : i64} {
  func.func @gather_k(%arg0: i32, %arg1: i32, %arg2: memref<16384xf32, #tpu.memory_space<hbm>>, %arg3: memref<16384xf32, #tpu.memory_space<hbm>>, %arg4: memref<16384xf32, #tpu.memory_space<hbm>>, %arg5: memref<327680xi32, #tpu.memory_space<hbm>>, %arg6: memref<327680xf32, #tpu.memory_space<hbm>>, %arg7: memref<327680xf32, #tpu.memory_space<hbm>>, %arg8: memref<327680xf32, #tpu.memory_space<hbm>>, %arg9: memref<16384xf32, #tpu.memory_space<vmem>>, %arg10: memref<16384xf32, #tpu.memory_space<vmem>>, %arg11: memref<16384xf32, #tpu.memory_space<vmem>>, %arg12: memref<10240xi32, #tpu.memory_space<vmem>>, %arg13: memref<10240xf32, #tpu.memory_space<vmem>>, %arg14: memref<10240xf32, #tpu.memory_space<vmem>>, %arg15: memref<10240xf32, #tpu.memory_space<vmem>>) attributes {dimension_semantics = [#tpu.dimension_semantics<core_parallel>, #tpu.dimension_semantics<subcore_parallel>], iteration_bounds = array<i64: 2, 16>, scalar_prefetch = 0 : i64, scratch_operands = 7 : i64, tpu.core_type = #tpu.core_type<sc_vector_subcore>, window_params = [{transform_indices = #map}, {transform_indices = #map}, {transform_indices = #map}, {transform_indices = #map}, {transform_indices = #map}, {transform_indices = #map}, {transform_indices = #map}]} {
    %mul3A = arith.constant 2 : i32
    %mul3A_0 = arith.muli %arg1, %mul3A : i32
    %add3A = arith.addi %mul3A_0, %arg0 : i32
    %mul3A_1 = arith.constant 10240 : i32
    %mul3A_2 = arith.muli %add3A, %mul3A_1 : i32
    "tpu.region"() ({
      %run_scoped3A = tpu.sem_alloc : memref<!tpu.dma_semaphore, #tpu.memory_space<semaphore_mem>>
      tpu.enqueue_dma source(%arg2 : memref<16384xf32, #tpu.memory_space<hbm>>) target(%arg9 : memref<16384xf32, #tpu.memory_space<vmem>>) target_semaphore(%run_scoped3A : memref<!tpu.dma_semaphore, #tpu.memory_space<semaphore_mem>>)
      tpu.wait_dma2 semaphore(%run_scoped3A : memref<!tpu.dma_semaphore, #tpu.memory_space<semaphore_mem>>) src(%arg2 : memref<16384xf32, #tpu.memory_space<hbm>>) dst(%arg9 : memref<16384xf32, #tpu.memory_space<vmem>>)
      tpu.yield
    }) : () -> ()
    "tpu.region"() ({
      %run_scoped3A = tpu.sem_alloc : memref<!tpu.dma_semaphore, #tpu.memory_space<semaphore_mem>>
      tpu.enqueue_dma source(%arg3 : memref<16384xf32, #tpu.memory_space<hbm>>) target(%arg10 : memref<16384xf32, #tpu.memory_space<vmem>>) target_semaphore(%run_scoped3A : memref<!tpu.dma_semaphore, #tpu.memory_space<semaphore_mem>>)
      tpu.wait_dma2 semaphore(%run_scoped3A : memref<!tpu.dma_semaphore, #tpu.memory_space<semaphore_mem>>) src(%arg3 : memref<16384xf32, #tpu.memory_space<hbm>>) dst(%arg10 : memref<16384xf32, #tpu.memory_space<vmem>>)
      tpu.yield
    }) : () -> ()
    "tpu.region"() ({
      %run_scoped3A = tpu.sem_alloc : memref<!tpu.dma_semaphore, #tpu.memory_space<semaphore_mem>>
      tpu.enqueue_dma source(%arg4 : memref<16384xf32, #tpu.memory_space<hbm>>) target(%arg11 : memref<16384xf32, #tpu.memory_space<vmem>>) target_semaphore(%run_scoped3A : memref<!tpu.dma_semaphore, #tpu.memory_space<semaphore_mem>>)
      tpu.wait_dma2 semaphore(%run_scoped3A : memref<!tpu.dma_semaphore, #tpu.memory_space<semaphore_mem>>) src(%arg4 : memref<16384xf32, #tpu.memory_space<hbm>>) dst(%arg11 : memref<16384xf32, #tpu.memory_space<vmem>>)
      tpu.yield
    }) : () -> ()
    "tpu.region"() ({
      %run_scoped3A = tpu.sem_alloc : memref<!tpu.dma_semaphore, #tpu.memory_space<semaphore_mem>>
      %dma_start3A = tpu.memref_slice %arg5[%mul3A_2] : memref<327680xi32, #tpu.memory_space<hbm>> -> memref<10240xi32, #tpu.memory_space<hbm>>
      %dma_start3A_7 = tpu.memref_slice %arg5[%mul3A_2] : memref<327680xi32, #tpu.memory_space<hbm>> -> memref<10240xi32, #tpu.memory_space<hbm>>
      tpu.enqueue_dma source(%dma_start3A_7 : memref<10240xi32, #tpu.memory_space<hbm>>) target(%arg12 : memref<10240xi32, #tpu.memory_space<vmem>>) target_semaphore(%run_scoped3A : memref<!tpu.dma_semaphore, #tpu.memory_space<semaphore_mem>>)
      %dma_wait3A = tpu.memref_slice %arg5[%mul3A_2] : memref<327680xi32, #tpu.memory_space<hbm>> -> memref<10240xi32, #tpu.memory_space<hbm>>
      %dma_wait3A_8 = tpu.memref_slice %arg5[%mul3A_2] : memref<327680xi32, #tpu.memory_space<hbm>> -> memref<10240xi32, #tpu.memory_space<hbm>>
      tpu.wait_dma2 semaphore(%run_scoped3A : memref<!tpu.dma_semaphore, #tpu.memory_space<semaphore_mem>>) src(%dma_wait3A_8 : memref<10240xi32, #tpu.memory_space<hbm>>) dst(%arg12 : memref<10240xi32, #tpu.memory_space<vmem>>)
      tpu.yield
    }) : () -> ()
    %scan3A = arith.constant 0 : i32
    %scan3A_3 = arith.constant 640 : i32
    %scan3A_4 = arith.addi %scan3A, %scan3A_3 : i32
    %scan3A_5 = arith.constant 1 : i32
    scf.for %scan3A_7 = %scan3A to %scan3A_4 step %scan3A_5  : i32 {
      %mul3A_8 = arith.constant 16 : i32
      %mul3A_9 = arith.muli %scan3A_7, %mul3A_8 : i32
      %multiple_of3A = tpu.assume_multiple %mul3A_9, 16 : i32
      %get3A = arith.index_cast %multiple_of3A : i32 to index
      %get3A_10 = tpu.vector_load %arg12[%get3A] {strides = array<i32>} : memref<10240xi32, #tpu.memory_space<vmem>>, vector<16xi32>,
      %gather3A = tpu.vector_load_idx %arg9[%get3A_10] : memref<16384xf32, #tpu.memory_space<vmem>>[vector<16xi32>], vector<16xf32>,
      %swap3A = arith.index_cast %multiple_of3A : i32 to index
      %swap3A_11 = tpu.vector_load %arg13[%swap3A] {strides = array<i32>} : memref<10240xf32, #tpu.memory_space<vmem>>, vector<16xf32>,
      tpu.vector_store %arg13[%swap3A], %gather3A {strides = array<i32>} : memref<10240xf32, #tpu.memory_space<vmem>>, vector<16xf32>,
      %gather3A_12 = tpu.vector_load_idx %arg10[%get3A_10] : memref<16384xf32, #tpu.memory_space<vmem>>[vector<16xi32>], vector<16xf32>,
      %swap3A_13 = arith.index_cast %multiple_of3A : i32 to index
      %swap3A_14 = tpu.vector_load %arg14[%swap3A_13] {strides = array<i32>} : memref<10240xf32, #tpu.memory_space<vmem>>, vector<16xf32>,
      tpu.vector_store %arg14[%swap3A_13], %gather3A_12 {strides = array<i32>} : memref<10240xf32, #tpu.memory_space<vmem>>, vector<16xf32>,
      %gather3A_15 = tpu.vector_load_idx %arg11[%get3A_10] : memref<16384xf32, #tpu.memory_space<vmem>>[vector<16xi32>], vector<16xf32>,
      %swap3A_16 = arith.index_cast %multiple_of3A : i32 to index
      %swap3A_17 = tpu.vector_load %arg15[%swap3A_16] {strides = array<i32>} : memref<10240xf32, #tpu.memory_space<vmem>>, vector<16xf32>,
      tpu.vector_store %arg15[%swap3A_16], %gather3A_15 {strides = array<i32>} : memref<10240xf32, #tpu.memory_space<vmem>>, vector<16xf32>,
    }
    %scan3A_6 = arith.constant 640 : i32
    "tpu.region"() ({
      %run_scoped3A = tpu.sem_alloc : memref<!tpu.dma_semaphore, #tpu.memory_space<semaphore_mem>>
      %dma_start3A = tpu.memref_slice %arg6[%mul3A_2] : memref<327680xf32, #tpu.memory_space<hbm>> -> memref<10240xf32, #tpu.memory_space<hbm>>
      %dma_start3A_7 = tpu.memref_slice %arg6[%mul3A_2] : memref<327680xf32, #tpu.memory_space<hbm>> -> memref<10240xf32, #tpu.memory_space<hbm>>
      tpu.enqueue_dma source(%arg13 : memref<10240xf32, #tpu.memory_space<vmem>>) target(%dma_start3A_7 : memref<10240xf32, #tpu.memory_space<hbm>>) target_semaphore(%run_scoped3A : memref<!tpu.dma_semaphore, #tpu.memory_space<semaphore_mem>>)
      %dma_wait3A = tpu.memref_slice %arg6[%mul3A_2] : memref<327680xf32, #tpu.memory_space<hbm>> -> memref<10240xf32, #tpu.memory_space<hbm>>
      %dma_wait3A_8 = tpu.memref_slice %arg6[%mul3A_2] : memref<327680xf32, #tpu.memory_space<hbm>> -> memref<10240xf32, #tpu.memory_space<hbm>>
      tpu.wait_dma2 semaphore(%run_scoped3A : memref<!tpu.dma_semaphore, #tpu.memory_space<semaphore_mem>>) src(%arg13 : memref<10240xf32, #tpu.memory_space<vmem>>) dst(%dma_wait3A_8 : memref<10240xf32, #tpu.memory_space<hbm>>)
      tpu.yield
    }) : () -> ()
    "tpu.region"() ({
      %run_scoped3A = tpu.sem_alloc : memref<!tpu.dma_semaphore, #tpu.memory_space<semaphore_mem>>
      %dma_start3A = tpu.memref_slice %arg7[%mul3A_2] : memref<327680xf32, #tpu.memory_space<hbm>> -> memref<10240xf32, #tpu.memory_space<hbm>>
      %dma_start3A_7 = tpu.memref_slice %arg7[%mul3A_2] : memref<327680xf32, #tpu.memory_space<hbm>> -> memref<10240xf32, #tpu.memory_space<hbm>>
      tpu.enqueue_dma source(%arg14 : memref<10240xf32, #tpu.memory_space<vmem>>) target(%dma_start3A_7 : memref<10240xf32, #tpu.memory_space<hbm>>) target_semaphore(%run_scoped3A : memref<!tpu.dma_semaphore, #tpu.memory_space<semaphore_mem>>)
      %dma_wait3A = tpu.memref_slice %arg7[%mul3A_2] : memref<327680xf32, #tpu.memory_space<hbm>> -> memref<10240xf32, #tpu.memory_space<hbm>>
      %dma_wait3A_8 = tpu.memref_slice %arg7[%mul3A_2] : memref<327680xf32, #tpu.memory_space<hbm>> -> memref<10240xf32, #tpu.memory_space<hbm>>
      tpu.wait_dma2 semaphore(%run_scoped3A : memref<!tpu.dma_semaphore, #tpu.memory_space<semaphore_mem>>) src(%arg14 : memref<10240xf32, #tpu.memory_space<vmem>>) dst(%dma_wait3A_8 : memref<10240xf32, #tpu.memory_space<hbm>>)
      tpu.yield
    }) : () -> ()
    "tpu.region"() ({
      %run_scoped3A = tpu.sem_alloc : memref<!tpu.dma_semaphore, #tpu.memory_space<semaphore_mem>>
      %dma_start3A = tpu.memref_slice %arg8[%mul3A_2] : memref<327680xf32, #tpu.memory_space<hbm>> -> memref<10240xf32, #tpu.memory_space<hbm>>
      %dma_start3A_7 = tpu.memref_slice %arg8[%mul3A_2] : memref<327680xf32, #tpu.memory_space<hbm>> -> memref<10240xf32, #tpu.memory_space<hbm>>
      tpu.enqueue_dma source(%arg15 : memref<10240xf32, #tpu.memory_space<vmem>>) target(%dma_start3A_7 : memref<10240xf32, #tpu.memory_space<hbm>>) target_semaphore(%run_scoped3A : memref<!tpu.dma_semaphore, #tpu.memory_space<semaphore_mem>>)
      %dma_wait3A = tpu.memref_slice %arg8[%mul3A_2] : memref<327680xf32, #tpu.memory_space<hbm>> -> memref<10240xf32, #tpu.memory_space<hbm>>
      %dma_wait3A_8 = tpu.memref_slice %arg8[%mul3A_2] : memref<327680xf32, #tpu.memory_space<hbm>> -> memref<10240xf32, #tpu.memory_space<hbm>>
      tpu.wait_dma2 semaphore(%run_scoped3A : memref<!tpu.dma_semaphore, #tpu.memory_space<semaphore_mem>>) src(%arg15 : memref<10240xf32, #tpu.memory_space<vmem>>) dst(%dma_wait3A_8 : memref<10240xf32, #tpu.memory_space<hbm>>)
      tpu.yield
    }) : () -> ()
    return
  }
}

module attributes {stable_mosaic.version = 14 : i64} {
  func.func @_knn_body(%arg0: i32, %arg1: i32, %arg2: memref<1x512x3xf32, #tpu.memory_space<vmem>>, %arg3: memref<1x3x4096xf32, #tpu.memory_space<vmem>>, %arg4: memref<1x512x20xi32, #tpu.memory_space<vmem>>) attributes {dimension_semantics = [#tpu.dimension_semantics<arbitrary>, #tpu.dimension_semantics<arbitrary>], iteration_bounds = array<i64: 4, 8>, scalar_prefetch = 0 : i64, scratch_operands = 0 : i64, tpu.core_type = #tpu.core_type<tc>, window_params = [{transform_indices = @transform_0, window_bounds = array<i64: 1, 512, 3>}, {transform_indices = @transform_1, window_bounds = array<i64: 1, 3, 4096>}, {transform_indices = @transform_2, window_bounds = array<i64: 1, 512, 20>}]} {
    %get3A = arith.constant 0 : index
    %get3A_0 = arith.constant 0 : index
    %get3A_1 = arith.constant 0 : index
    %get3A_2 = vector.load %arg2[%get3A, %get3A_0, %get3A_1] : memref<1x512x3xf32, #tpu.memory_space<vmem>>, vector<1x512x3xf32>
    %get3A_3 = vector.shape_cast %get3A_2 : vector<1x512x3xf32> to vector<512x3xf32>
    %get3A_4 = arith.constant 0 : index
    %get3A_5 = arith.constant 0 : index
    %get3A_6 = arith.constant 0 : index
    %get3A_7 = vector.load %arg3[%get3A_4, %get3A_5, %get3A_6] : memref<1x3x4096xf32, #tpu.memory_space<vmem>>, vector<1x3x4096xf32>
    %get3A_8 = vector.shape_cast %get3A_7 : vector<1x3x4096xf32> to vector<3x4096xf32>
    %slice3A = vector.extract_strided_slice %get3A_8 {offsets = [0, 0], sizes = [1, 4096], strides = [1, 1]} : vector<3x4096xf32> to vector<1x4096xf32>
    %slice3A_9 = vector.extract_strided_slice %get3A_8 {offsets = [1, 0], sizes = [1, 4096], strides = [1, 1]} : vector<3x4096xf32> to vector<1x4096xf32>
    %slice3A_10 = vector.extract_strided_slice %get3A_8 {offsets = [2, 0], sizes = [1, 4096], strides = [1, 1]} : vector<3x4096xf32> to vector<1x4096xf32>
    %mul3A = arith.mulf %slice3A, %slice3A : vector<1x4096xf32>
    %mul3A_11 = arith.mulf %slice3A_9, %slice3A_9 : vector<1x4096xf32>
    %add3A = arith.addf %mul3A, %mul3A_11 : vector<1x4096xf32>
    %mul3A_12 = arith.mulf %slice3A_10, %slice3A_10 : vector<1x4096xf32>
    %add3A_13 = arith.addf %add3A, %mul3A_12 : vector<1x4096xf32>
    %mul3A_14 = arith.mulf %get3A_3, %get3A_3 : vector<512x3xf32>
    %reduce_sum3A = arith.constant dense<0.000000e+00> : vector<512xf32>
    %reduce_sum3A_15 = vector.multi_reduction <add>, %mul3A_14, %reduce_sum3A [1] : vector<512x3xf32> to vector<512xf32>
    %broadcast_in_dim3A = vector.shape_cast %reduce_sum3A_15 : vector<512xf32> to vector<512x1xf32>
    %mul3A_16 = arith.constant -2.000000e+00 : f32
    %mul3A_17 = vector.broadcast %mul3A_16 : f32 to vector<512x3xf32>
    %mul3A_18 = arith.mulf %get3A_3, %mul3A_17 : vector<512x3xf32>
    %concatenate3A = tpu.concatenate %mul3A_18, %broadcast_in_dim3A in 1 : vector<512x3xf32>, vector<512x1xf32> -> vector<512x4xf32>
    %broadcast_in_dim3A_19 = arith.constant 1.000000e+00 : f32
    %broadcast_in_dim3A_20 = vector.broadcast %broadcast_in_dim3A_19 : f32 to vector<1x4096xf32>
    %concatenate3A_21 = tpu.concatenate %get3A_8, %broadcast_in_dim3A_20 in 0 : vector<3x4096xf32>, vector<1x4096xf32> -> vector<4x4096xf32>
    %dot_general3A = arith.constant dense<0.000000e+00> : vector<512x4096xf32>
    %dot_general3A_22 = tpu.matmul %concatenate3A, %concatenate3A_21, %dot_general3A {dimension_numbers = #tpu.dot_dimension_numbers<[1], [0], [0], [1], [0, 0, 1, 1], [], []>, transpose_lhs_hint = false} : vector<512x4xf32>, vector<4x4096xf32>, vector<512x4096xf32> -> vector<512x4096xf32>
    %add3A_23 = vector.broadcast %add3A_13 : vector<1x4096xf32> to vector<512x4096xf32>
    %add3A_24 = arith.addf %dot_general3A_22, %add3A_23 : vector<512x4096xf32>
    %max3A = arith.constant 1.000000e-30 : f32
    %max3A_25 = vector.broadcast %max3A : f32 to vector<512x4096xf32>
    %max3A_26 = arith.maximumf %add3A_24, %max3A_25 : vector<512x4096xf32>
    %bitcast_convert_type3A = tpu.bitcast %max3A_26 : vector<512x4096xf32> -> vector<512x4096xi32>
    %iota3A = tpu.iota {dimensions = array<i32: 1>} : vector<512x4096xi32>
    %and3A = arith.constant -4096 : i32
    %and3A_27 = vector.broadcast %and3A : i32 to vector<512x4096xi32>
    %and3A_28 = arith.andi %bitcast_convert_type3A, %and3A_27 : vector<512x4096xi32>
    %or3A = arith.ori %and3A_28, %iota3A : vector<512x4096xi32>
    %bitcast_convert_type3A_29 = tpu.bitcast %or3A : vector<512x4096xi32> -> vector<512x4096xf32>
    %reduce_min3A = arith.constant dense<0x7F800000> : vector<512xf32>
    %reduce_min3A_30 = vector.multi_reduction <minimumf>, %bitcast_convert_type3A_29, %reduce_min3A [1] : vector<512x4096xf32> to vector<512xf32>
    %broadcast_in_dim3A_31 = vector.shape_cast %reduce_min3A_30 : vector<512xf32> to vector<512x1xf32>
    %eq3A = vector.broadcast %broadcast_in_dim3A_31 : vector<512x1xf32> to vector<512x4096xf32>
    %eq3A_32 = arith.cmpf oeq, %bitcast_convert_type3A_29, %eq3A : vector<512x4096xf32>
    %jit3A = arith.constant 0x7F800000 : f32
    %broadcast_in_dim3A_33 = vector.broadcast %jit3A : f32 to vector<512x4096xf32>
    %select_n3A = arith.select %eq3A_32, %broadcast_in_dim3A_33, %bitcast_convert_type3A_29 : vector<512x4096xi1>, vector<512x4096xf32>
    %reduce_min3A_34 = arith.constant dense<0x7F800000> : vector<512xf32>
    %reduce_min3A_35 = vector.multi_reduction <minimumf>, %select_n3A, %reduce_min3A_34 [1] : vector<512x4096xf32> to vector<512xf32>
    %broadcast_in_dim3A_36 = vector.shape_cast %reduce_min3A_35 : vector<512xf32> to vector<512x1xf32>
    %eq3A_37 = vector.broadcast %broadcast_in_dim3A_36 : vector<512x1xf32> to vector<512x4096xf32>
    %eq3A_38 = arith.cmpf oeq, %select_n3A, %eq3A_37 : vector<512x4096xf32>
    %jit3A_39 = arith.constant 0x7F800000 : f32
    %broadcast_in_dim3A_40 = vector.broadcast %jit3A_39 : f32 to vector<512x4096xf32>
    %select_n3A_41 = arith.select %eq3A_38, %broadcast_in_dim3A_40, %select_n3A : vector<512x4096xi1>, vector<512x4096xf32>
    %reduce_min3A_42 = arith.constant dense<0x7F800000> : vector<512xf32>
    %reduce_min3A_43 = vector.multi_reduction <minimumf>, %select_n3A_41, %reduce_min3A_42 [1] : vector<512x4096xf32> to vector<512xf32>
    %broadcast_in_dim3A_44 = vector.shape_cast %reduce_min3A_43 : vector<512xf32> to vector<512x1xf32>
    %eq3A_45 = vector.broadcast %broadcast_in_dim3A_44 : vector<512x1xf32> to vector<512x4096xf32>
    %eq3A_46 = arith.cmpf oeq, %select_n3A_41, %eq3A_45 : vector<512x4096xf32>
    %jit3A_47 = arith.constant 0x7F800000 : f32
    %broadcast_in_dim3A_48 = vector.broadcast %jit3A_47 : f32 to vector<512x4096xf32>
    %select_n3A_49 = arith.select %eq3A_46, %broadcast_in_dim3A_48, %select_n3A_41 : vector<512x4096xi1>, vector<512x4096xf32>
    %reduce_min3A_50 = arith.constant dense<0x7F800000> : vector<512xf32>
    %reduce_min3A_51 = vector.multi_reduction <minimumf>, %select_n3A_49, %reduce_min3A_50 [1] : vector<512x4096xf32> to vector<512xf32>
    %broadcast_in_dim3A_52 = vector.shape_cast %reduce_min3A_51 : vector<512xf32> to vector<512x1xf32>
    %eq3A_53 = vector.broadcast %broadcast_in_dim3A_52 : vector<512x1xf32> to vector<512x4096xf32>
    %eq3A_54 = arith.cmpf oeq, %select_n3A_49, %eq3A_53 : vector<512x4096xf32>
    %jit3A_55 = arith.constant 0x7F800000 : f32
    %broadcast_in_dim3A_56 = vector.broadcast %jit3A_55 : f32 to vector<512x4096xf32>
    %select_n3A_57 = arith.select %eq3A_54, %broadcast_in_dim3A_56, %select_n3A_49 : vector<512x4096xi1>, vector<512x4096xf32>
    %reduce_min3A_58 = arith.constant dense<0x7F800000> : vector<512xf32>
    %reduce_min3A_59 = vector.multi_reduction <minimumf>, %select_n3A_57, %reduce_min3A_58 [1] : vector<512x4096xf32> to vector<512xf32>
    %broadcast_in_dim3A_60 = vector.shape_cast %reduce_min3A_59 : vector<512xf32> to vector<512x1xf32>
    %eq3A_61 = vector.broadcast %broadcast_in_dim3A_60 : vector<512x1xf32> to vector<512x4096xf32>
    %eq3A_62 = arith.cmpf oeq, %select_n3A_57, %eq3A_61 : vector<512x4096xf32>
    %jit3A_63 = arith.constant 0x7F800000 : f32
    %broadcast_in_dim3A_64 = vector.broadcast %jit3A_63 : f32 to vector<512x4096xf32>
    %select_n3A_65 = arith.select %eq3A_62, %broadcast_in_dim3A_64, %select_n3A_57 : vector<512x4096xi1>, vector<512x4096xf32>
    %reduce_min3A_66 = arith.constant dense<0x7F800000> : vector<512xf32>
    %reduce_min3A_67 = vector.multi_reduction <minimumf>, %select_n3A_65, %reduce_min3A_66 [1] : vector<512x4096xf32> to vector<512xf32>
    %broadcast_in_dim3A_68 = vector.shape_cast %reduce_min3A_67 : vector<512xf32> to vector<512x1xf32>
    %eq3A_69 = vector.broadcast %broadcast_in_dim3A_68 : vector<512x1xf32> to vector<512x4096xf32>
    %eq3A_70 = arith.cmpf oeq, %select_n3A_65, %eq3A_69 : vector<512x4096xf32>
    %jit3A_71 = arith.constant 0x7F800000 : f32
    %broadcast_in_dim3A_72 = vector.broadcast %jit3A_71 : f32 to vector<512x4096xf32>
    %select_n3A_73 = arith.select %eq3A_70, %broadcast_in_dim3A_72, %select_n3A_65 : vector<512x4096xi1>, vector<512x4096xf32>
    %reduce_min3A_74 = arith.constant dense<0x7F800000> : vector<512xf32>
    %reduce_min3A_75 = vector.multi_reduction <minimumf>, %select_n3A_73, %reduce_min3A_74 [1] : vector<512x4096xf32> to vector<512xf32>
    %broadcast_in_dim3A_76 = vector.shape_cast %reduce_min3A_75 : vector<512xf32> to vector<512x1xf32>
    %eq3A_77 = vector.broadcast %broadcast_in_dim3A_76 : vector<512x1xf32> to vector<512x4096xf32>
    %eq3A_78 = arith.cmpf oeq, %select_n3A_73, %eq3A_77 : vector<512x4096xf32>
    %jit3A_79 = arith.constant 0x7F800000 : f32
    %broadcast_in_dim3A_80 = vector.broadcast %jit3A_79 : f32 to vector<512x4096xf32>
    %select_n3A_81 = arith.select %eq3A_78, %broadcast_in_dim3A_80, %select_n3A_73 : vector<512x4096xi1>, vector<512x4096xf32>
    %reduce_min3A_82 = arith.constant dense<0x7F800000> : vector<512xf32>
    %reduce_min3A_83 = vector.multi_reduction <minimumf>, %select_n3A_81, %reduce_min3A_82 [1] : vector<512x4096xf32> to vector<512xf32>
    %broadcast_in_dim3A_84 = vector.shape_cast %reduce_min3A_83 : vector<512xf32> to vector<512x1xf32>
    %eq3A_85 = vector.broadcast %broadcast_in_dim3A_84 : vector<512x1xf32> to vector<512x4096xf32>
    %eq3A_86 = arith.cmpf oeq, %select_n3A_81, %eq3A_85 : vector<512x4096xf32>
    %jit3A_87 = arith.constant 0x7F800000 : f32
    %broadcast_in_dim3A_88 = vector.broadcast %jit3A_87 : f32 to vector<512x4096xf32>
    %select_n3A_89 = arith.select %eq3A_86, %broadcast_in_dim3A_88, %select_n3A_81 : vector<512x4096xi1>, vector<512x4096xf32>
    %reduce_min3A_90 = arith.constant dense<0x7F800000> : vector<512xf32>
    %reduce_min3A_91 = vector.multi_reduction <minimumf>, %select_n3A_89, %reduce_min3A_90 [1] : vector<512x4096xf32> to vector<512xf32>
    %broadcast_in_dim3A_92 = vector.shape_cast %reduce_min3A_91 : vector<512xf32> to vector<512x1xf32>
    %eq3A_93 = vector.broadcast %broadcast_in_dim3A_92 : vector<512x1xf32> to vector<512x4096xf32>
    %eq3A_94 = arith.cmpf oeq, %select_n3A_89, %eq3A_93 : vector<512x4096xf32>
    %jit3A_95 = arith.constant 0x7F800000 : f32
    %broadcast_in_dim3A_96 = vector.broadcast %jit3A_95 : f32 to vector<512x4096xf32>
    %select_n3A_97 = arith.select %eq3A_94, %broadcast_in_dim3A_96, %select_n3A_89 : vector<512x4096xi1>, vector<512x4096xf32>
    %reduce_min3A_98 = arith.constant dense<0x7F800000> : vector<512xf32>
    %reduce_min3A_99 = vector.multi_reduction <minimumf>, %select_n3A_97, %reduce_min3A_98 [1] : vector<512x4096xf32> to vector<512xf32>
    %broadcast_in_dim3A_100 = vector.shape_cast %reduce_min3A_99 : vector<512xf32> to vector<512x1xf32>
    %eq3A_101 = vector.broadcast %broadcast_in_dim3A_100 : vector<512x1xf32> to vector<512x4096xf32>
    %eq3A_102 = arith.cmpf oeq, %select_n3A_97, %eq3A_101 : vector<512x4096xf32>
    %jit3A_103 = arith.constant 0x7F800000 : f32
    %broadcast_in_dim3A_104 = vector.broadcast %jit3A_103 : f32 to vector<512x4096xf32>
    %select_n3A_105 = arith.select %eq3A_102, %broadcast_in_dim3A_104, %select_n3A_97 : vector<512x4096xi1>, vector<512x4096xf32>
    %reduce_min3A_106 = arith.constant dense<0x7F800000> : vector<512xf32>
    %reduce_min3A_107 = vector.multi_reduction <minimumf>, %select_n3A_105, %reduce_min3A_106 [1] : vector<512x4096xf32> to vector<512xf32>
    %broadcast_in_dim3A_108 = vector.shape_cast %reduce_min3A_107 : vector<512xf32> to vector<512x1xf32>
    %eq3A_109 = vector.broadcast %broadcast_in_dim3A_108 : vector<512x1xf32> to vector<512x4096xf32>
    %eq3A_110 = arith.cmpf oeq, %select_n3A_105, %eq3A_109 : vector<512x4096xf32>
    %jit3A_111 = arith.constant 0x7F800000 : f32
    %broadcast_in_dim3A_112 = vector.broadcast %jit3A_111 : f32 to vector<512x4096xf32>
    %select_n3A_113 = arith.select %eq3A_110, %broadcast_in_dim3A_112, %select_n3A_105 : vector<512x4096xi1>, vector<512x4096xf32>
    %reduce_min3A_114 = arith.constant dense<0x7F800000> : vector<512xf32>
    %reduce_min3A_115 = vector.multi_reduction <minimumf>, %select_n3A_113, %reduce_min3A_114 [1] : vector<512x4096xf32> to vector<512xf32>
    %broadcast_in_dim3A_116 = vector.shape_cast %reduce_min3A_115 : vector<512xf32> to vector<512x1xf32>
    %eq3A_117 = vector.broadcast %broadcast_in_dim3A_116 : vector<512x1xf32> to vector<512x4096xf32>
    %eq3A_118 = arith.cmpf oeq, %select_n3A_113, %eq3A_117 : vector<512x4096xf32>
    %jit3A_119 = arith.constant 0x7F800000 : f32
    %broadcast_in_dim3A_120 = vector.broadcast %jit3A_119 : f32 to vector<512x4096xf32>
    %select_n3A_121 = arith.select %eq3A_118, %broadcast_in_dim3A_120, %select_n3A_113 : vector<512x4096xi1>, vector<512x4096xf32>
    %reduce_min3A_122 = arith.constant dense<0x7F800000> : vector<512xf32>
    %reduce_min3A_123 = vector.multi_reduction <minimumf>, %select_n3A_121, %reduce_min3A_122 [1] : vector<512x4096xf32> to vector<512xf32>
    %broadcast_in_dim3A_124 = vector.shape_cast %reduce_min3A_123 : vector<512xf32> to vector<512x1xf32>
    %eq3A_125 = vector.broadcast %broadcast_in_dim3A_124 : vector<512x1xf32> to vector<512x4096xf32>
    %eq3A_126 = arith.cmpf oeq, %select_n3A_121, %eq3A_125 : vector<512x4096xf32>
    %jit3A_127 = arith.constant 0x7F800000 : f32
    %broadcast_in_dim3A_128 = vector.broadcast %jit3A_127 : f32 to vector<512x4096xf32>
    %select_n3A_129 = arith.select %eq3A_126, %broadcast_in_dim3A_128, %select_n3A_121 : vector<512x4096xi1>, vector<512x4096xf32>
    %reduce_min3A_130 = arith.constant dense<0x7F800000> : vector<512xf32>
    %reduce_min3A_131 = vector.multi_reduction <minimumf>, %select_n3A_129, %reduce_min3A_130 [1] : vector<512x4096xf32> to vector<512xf32>
    %broadcast_in_dim3A_132 = vector.shape_cast %reduce_min3A_131 : vector<512xf32> to vector<512x1xf32>
    %eq3A_133 = vector.broadcast %broadcast_in_dim3A_132 : vector<512x1xf32> to vector<512x4096xf32>
    %eq3A_134 = arith.cmpf oeq, %select_n3A_129, %eq3A_133 : vector<512x4096xf32>
    %jit3A_135 = arith.constant 0x7F800000 : f32
    %broadcast_in_dim3A_136 = vector.broadcast %jit3A_135 : f32 to vector<512x4096xf32>
    %select_n3A_137 = arith.select %eq3A_134, %broadcast_in_dim3A_136, %select_n3A_129 : vector<512x4096xi1>, vector<512x4096xf32>
    %reduce_min3A_138 = arith.constant dense<0x7F800000> : vector<512xf32>
    %reduce_min3A_139 = vector.multi_reduction <minimumf>, %select_n3A_137, %reduce_min3A_138 [1] : vector<512x4096xf32> to vector<512xf32>
    %broadcast_in_dim3A_140 = vector.shape_cast %reduce_min3A_139 : vector<512xf32> to vector<512x1xf32>
    %eq3A_141 = vector.broadcast %broadcast_in_dim3A_140 : vector<512x1xf32> to vector<512x4096xf32>
    %eq3A_142 = arith.cmpf oeq, %select_n3A_137, %eq3A_141 : vector<512x4096xf32>
    %jit3A_143 = arith.constant 0x7F800000 : f32
    %broadcast_in_dim3A_144 = vector.broadcast %jit3A_143 : f32 to vector<512x4096xf32>
    %select_n3A_145 = arith.select %eq3A_142, %broadcast_in_dim3A_144, %select_n3A_137 : vector<512x4096xi1>, vector<512x4096xf32>
    %reduce_min3A_146 = arith.constant dense<0x7F800000> : vector<512xf32>
    %reduce_min3A_147 = vector.multi_reduction <minimumf>, %select_n3A_145, %reduce_min3A_146 [1] : vector<512x4096xf32> to vector<512xf32>
    %broadcast_in_dim3A_148 = vector.shape_cast %reduce_min3A_147 : vector<512xf32> to vector<512x1xf32>
    %eq3A_149 = vector.broadcast %broadcast_in_dim3A_148 : vector<512x1xf32> to vector<512x4096xf32>
    %eq3A_150 = arith.cmpf oeq, %select_n3A_145, %eq3A_149 : vector<512x4096xf32>
    %jit3A_151 = arith.constant 0x7F800000 : f32
    %broadcast_in_dim3A_152 = vector.broadcast %jit3A_151 : f32 to vector<512x4096xf32>
    %select_n3A_153 = arith.select %eq3A_150, %broadcast_in_dim3A_152, %select_n3A_145 : vector<512x4096xi1>, vector<512x4096xf32>
    %reduce_min3A_154 = arith.constant dense<0x7F800000> : vector<512xf32>
    %reduce_min3A_155 = vector.multi_reduction <minimumf>, %select_n3A_153, %reduce_min3A_154 [1] : vector<512x4096xf32> to vector<512xf32>
    %broadcast_in_dim3A_156 = vector.shape_cast %reduce_min3A_155 : vector<512xf32> to vector<512x1xf32>
    %eq3A_157 = vector.broadcast %broadcast_in_dim3A_156 : vector<512x1xf32> to vector<512x4096xf32>
    %eq3A_158 = arith.cmpf oeq, %select_n3A_153, %eq3A_157 : vector<512x4096xf32>
    %jit3A_159 = arith.constant 0x7F800000 : f32
    %broadcast_in_dim3A_160 = vector.broadcast %jit3A_159 : f32 to vector<512x4096xf32>
    %select_n3A_161 = arith.select %eq3A_158, %broadcast_in_dim3A_160, %select_n3A_153 : vector<512x4096xi1>, vector<512x4096xf32>
    %reduce_min3A_162 = arith.constant dense<0x7F800000> : vector<512xf32>
    %reduce_min3A_163 = vector.multi_reduction <minimumf>, %select_n3A_161, %reduce_min3A_162 [1] : vector<512x4096xf32> to vector<512xf32>
    %broadcast_in_dim3A_164 = vector.shape_cast %reduce_min3A_163 : vector<512xf32> to vector<512x1xf32>
    %eq3A_165 = vector.broadcast %broadcast_in_dim3A_164 : vector<512x1xf32> to vector<512x4096xf32>
    %eq3A_166 = arith.cmpf oeq, %select_n3A_161, %eq3A_165 : vector<512x4096xf32>
    %jit3A_167 = arith.constant 0x7F800000 : f32
    %broadcast_in_dim3A_168 = vector.broadcast %jit3A_167 : f32 to vector<512x4096xf32>
    %select_n3A_169 = arith.select %eq3A_166, %broadcast_in_dim3A_168, %select_n3A_161 : vector<512x4096xi1>, vector<512x4096xf32>
    %reduce_min3A_170 = arith.constant dense<0x7F800000> : vector<512xf32>
    %reduce_min3A_171 = vector.multi_reduction <minimumf>, %select_n3A_169, %reduce_min3A_170 [1] : vector<512x4096xf32> to vector<512xf32>
    %broadcast_in_dim3A_172 = vector.shape_cast %reduce_min3A_171 : vector<512xf32> to vector<512x1xf32>
    %eq3A_173 = vector.broadcast %broadcast_in_dim3A_172 : vector<512x1xf32> to vector<512x4096xf32>
    %eq3A_174 = arith.cmpf oeq, %select_n3A_169, %eq3A_173 : vector<512x4096xf32>
    %jit3A_175 = arith.constant 0x7F800000 : f32
    %broadcast_in_dim3A_176 = vector.broadcast %jit3A_175 : f32 to vector<512x4096xf32>
    %select_n3A_177 = arith.select %eq3A_174, %broadcast_in_dim3A_176, %select_n3A_169 : vector<512x4096xi1>, vector<512x4096xf32>
    %reduce_min3A_178 = arith.constant dense<0x7F800000> : vector<512xf32>
    %reduce_min3A_179 = vector.multi_reduction <minimumf>, %select_n3A_177, %reduce_min3A_178 [1] : vector<512x4096xf32> to vector<512xf32>
    %broadcast_in_dim3A_180 = vector.shape_cast %reduce_min3A_179 : vector<512xf32> to vector<512x1xf32>
    %concatenate3A_181 = tpu.concatenate %broadcast_in_dim3A_31, %broadcast_in_dim3A_36, %broadcast_in_dim3A_44, %broadcast_in_dim3A_52, %broadcast_in_dim3A_60, %broadcast_in_dim3A_68, %broadcast_in_dim3A_76, %broadcast_in_dim3A_84, %broadcast_in_dim3A_92, %broadcast_in_dim3A_100, %broadcast_in_dim3A_108, %broadcast_in_dim3A_116, %broadcast_in_dim3A_124, %broadcast_in_dim3A_132, %broadcast_in_dim3A_140, %broadcast_in_dim3A_148, %broadcast_in_dim3A_156, %broadcast_in_dim3A_164, %broadcast_in_dim3A_172, %broadcast_in_dim3A_180 in 1 : vector<512x1xf32>, vector<512x1xf32>, vector<512x1xf32>, vector<512x1xf32>, vector<512x1xf32>, vector<512x1xf32>, vector<512x1xf32>, vector<512x1xf32>, vector<512x1xf32>, vector<512x1xf32>, vector<512x1xf32>, vector<512x1xf32>, vector<512x1xf32>, vector<512x1xf32>, vector<512x1xf32>, vector<512x1xf32>, vector<512x1xf32>, vector<512x1xf32>, vector<512x1xf32>, vector<512x1xf32> -> vector<512x20xf32>
    %bitcast_convert_type3A_182 = tpu.bitcast %concatenate3A_181 : vector<512x20xf32> -> vector<512x20xi32>
    %and3A_183 = arith.constant 4095 : i32
    %and3A_184 = vector.broadcast %and3A_183 : i32 to vector<512x20xi32>
    %and3A_185 = arith.andi %bitcast_convert_type3A_182, %and3A_184 : vector<512x20xi32>
    %mul3A_186 = arith.constant 4096 : i32
    %mul3A_187 = arith.muli %arg0, %mul3A_186 : i32
    %add3A_188 = vector.broadcast %mul3A_187 : i32 to vector<512x20xi32>
    %add3A_189 = arith.addi %and3A_185, %add3A_188 : vector<512x20xi32>
    %swap3A = arith.constant 0 : index
    %swap3A_190 = arith.constant 0 : index
    %swap3A_191 = arith.constant 0 : index
    %swap3A_192 = vector.load %arg4[%swap3A, %swap3A_190, %swap3A_191] : memref<1x512x20xi32, #tpu.memory_space<vmem>>, vector<1x512x20xi32>
    %swap3A_193 = vector.shape_cast %swap3A_192 : vector<1x512x20xi32> to vector<512x20xi32>
    %swap3A_194 = vector.shape_cast %add3A_189 : vector<512x20xi32> to vector<1x512x20xi32>
    tpu.vector_store %arg4[%swap3A, %swap3A_190, %swap3A_191], %swap3A_194 {strides = array<i32>} : memref<1x512x20xi32, #tpu.memory_space<vmem>>, vector<1x512x20xi32>,
    return
  }
  func.func @transform_0(%arg0: i32, %arg1: i32) -> (i32, i32, i32) {
    %c0_i32 = arith.constant 0 : i32
    %c0_i32_0 = arith.constant 0 : i32
    return %arg0, %arg1, %c0_i32 : i32, i32, i32
  }
  func.func @transform_1(%arg0: i32, %arg1: i32) -> (i32, i32, i32) {
    %c0_i32 = arith.constant 0 : i32
    %c0_i32_0 = arith.constant 0 : i32
    %c0_i32_1 = arith.constant 0 : i32
    return %arg0, %c0_i32, %c0_i32_0 : i32, i32, i32
  }
  func.func @transform_2(%arg0: i32, %arg1: i32) -> (i32, i32, i32) {
    %c0_i32 = arith.constant 0 : i32
    %c0_i32_0 = arith.constant 0 : i32
    return %arg0, %arg1, %c0_i32 : i32, i32, i32
  }
}

module attributes {stable_mosaic.version = 14 : i64} {
  func.func @_mlp_body(%arg0: i32, %arg1: i32, %arg2: memref<1x512x3xf32, #tpu.memory_space<vmem>>, %arg3: memref<1x512x20xf32, #tpu.memory_space<vmem>>, %arg4: memref<1x512x20xf32, #tpu.memory_space<vmem>>, %arg5: memref<1x512x20xf32, #tpu.memory_space<vmem>>, %arg6: memref<6x64xf32, #tpu.memory_space<vmem>>, %arg7: memref<1x64xf32, #tpu.memory_space<vmem>>, %arg8: memref<64x128xf32, #tpu.memory_space<vmem>>, %arg9: memref<1x128xf32, #tpu.memory_space<vmem>>, %arg10: memref<128x1024xf32, #tpu.memory_space<vmem>>, %arg11: memref<1x1024xf32, #tpu.memory_space<vmem>>, %arg12: memref<1x1x1024xf32, #tpu.memory_space<vmem>>) attributes {dimension_semantics = [#tpu.dimension_semantics<arbitrary>, #tpu.dimension_semantics<arbitrary>], iteration_bounds = array<i64: 4, 8>, scalar_prefetch = 0 : i64, scratch_operands = 0 : i64, tpu.core_type = #tpu.core_type<tc>, window_params = [{transform_indices = @transform_0, window_bounds = array<i64: 1, 512, 3>}, {transform_indices = @transform_1, window_bounds = array<i64: 1, 512, 20>}, {transform_indices = @transform_2, window_bounds = array<i64: 1, 512, 20>}, {transform_indices = @transform_3, window_bounds = array<i64: 1, 512, 20>}, {pipeline_mode = #tpu.pipeline_mode<synchronous>, transform_indices = @transform_4, window_bounds = array<i64: 6, 64>}, {pipeline_mode = #tpu.pipeline_mode<synchronous>, transform_indices = @transform_5, window_bounds = array<i64: 1, 64>}, {pipeline_mode = #tpu.pipeline_mode<synchronous>, transform_indices = @transform_6, window_bounds = array<i64: 64, 128>}, {pipeline_mode = #tpu.pipeline_mode<synchronous>, transform_indices = @transform_7, window_bounds = array<i64: 1, 128>}, {pipeline_mode = #tpu.pipeline_mode<synchronous>, transform_indices = @transform_8, window_bounds = array<i64: 128, 1024>}, {pipeline_mode = #tpu.pipeline_mode<synchronous>, transform_indices = @transform_9, window_bounds = array<i64: 1, 1024>}, {transform_indices = @transform_10, window_bounds = array<i64: 1, 1, 1024>}]} {
    %get3A = arith.constant 0 : index
    %get3A_0 = arith.constant 0 : index
    %get3A_1 = arith.constant 0 : index
    %get3A_2 = vector.load %arg2[%get3A, %get3A_0, %get3A_1] : memref<1x512x3xf32, #tpu.memory_space<vmem>>, vector<1x512x3xf32>
    %get3A_3 = vector.shape_cast %get3A_2 : vector<1x512x3xf32> to vector<512x3xf32>
    %get3A_4 = arith.constant 0 : index
    %get3A_5 = arith.constant 0 : index
    %get3A_6 = vector.load %arg6[%get3A_4, %get3A_5] : memref<6x64xf32, #tpu.memory_space<vmem>>, vector<6x64xf32>
    %slice3A = vector.extract_strided_slice %get3A_6 {offsets = [0, 0], sizes = [3, 64], strides = [1, 1]} : vector<6x64xf32> to vector<3x64xf32>
    %slice3A_7 = vector.extract_strided_slice %get3A_6 {offsets = [3, 0], sizes = [3, 64], strides = [1, 1]} : vector<6x64xf32> to vector<3x64xf32>
    %sub3A = arith.subf %slice3A, %slice3A_7 : vector<3x64xf32>
    %dot_general3A = arith.constant dense<0.000000e+00> : vector<512x64xf32>
    %dot_general3A_8 = tpu.matmul %get3A_3, %sub3A, %dot_general3A {dimension_numbers = #tpu.dot_dimension_numbers<[1], [0], [0], [1], [0, 0, 1, 1], [], []>, transpose_lhs_hint = false} : vector<512x3xf32>, vector<3x64xf32>, vector<512x64xf32> -> vector<512x64xf32>
    %get3A_9 = arith.constant 0 : index
    %get3A_10 = arith.constant 0 : index
    %get3A_11 = vector.load %arg7[%get3A_9, %get3A_10] : memref<1x64xf32, #tpu.memory_space<vmem>>, vector<1x64xf32>
    %add3A = vector.broadcast %get3A_11 : vector<1x64xf32> to vector<512x64xf32>
    %add3A_12 = arith.addf %dot_general3A_8, %add3A : vector<512x64xf32>
    %get3A_13 = arith.constant 0 : index
    %get3A_14 = arith.constant 0 : index
    %get3A_15 = vector.load %arg8[%get3A_13, %get3A_14] : memref<64x128xf32, #tpu.memory_space<vmem>>, vector<64x128xf32>
    %get3A_16 = arith.constant 0 : index
    %get3A_17 = arith.constant 0 : index
    %get3A_18 = vector.load %arg9[%get3A_16, %get3A_17] : memref<1x128xf32, #tpu.memory_space<vmem>>, vector<1x128xf32>
    %iota3A = tpu.iota {dimensions = array<i32: 1>} : vector<20x1280xi32>
    %shift_right_arithmetic3A = arith.constant 6 : i32
    %shift_right_arithmetic3A_19 = vector.broadcast %shift_right_arithmetic3A : i32 to vector<20x1280xi32>
    %shift_right_arithmetic3A_20 = arith.shrsi %iota3A, %shift_right_arithmetic3A_19 : vector<20x1280xi32>
    %iota3A_21 = tpu.iota {dimensions = array<i32: 0>} : vector<20x1280xi32>
    %eq3A = arith.cmpi eq, %shift_right_arithmetic3A_20, %iota3A_21 : vector<20x1280xi32>
    %slice3A_22 = vector.extract_strided_slice %get3A_6 {offsets = [3, 0], sizes = [1, 64], strides = [1, 1]} : vector<6x64xf32> to vector<1x64xf32>
    %concatenate3A = tpu.concatenate %slice3A_22, %slice3A_22, %slice3A_22, %slice3A_22, %slice3A_22, %slice3A_22, %slice3A_22, %slice3A_22, %slice3A_22, %slice3A_22, %slice3A_22, %slice3A_22, %slice3A_22, %slice3A_22, %slice3A_22, %slice3A_22, %slice3A_22, %slice3A_22, %slice3A_22, %slice3A_22 in 1 : vector<1x64xf32>, vector<1x64xf32>, vector<1x64xf32>, vector<1x64xf32>, vector<1x64xf32>, vector<1x64xf32>, vector<1x64xf32>, vector<1x64xf32>, vector<1x64xf32>, vector<1x64xf32>, vector<1x64xf32>, vector<1x64xf32>, vector<1x64xf32>, vector<1x64xf32>, vector<1x64xf32>, vector<1x64xf32>, vector<1x64xf32>, vector<1x64xf32>, vector<1x64xf32>, vector<1x64xf32> -> vector<1x1280xf32>
    %jit3A = arith.constant 0.000000e+00 : f32
    %broadcast_in_dim3A = vector.shape_cast %concatenate3A : vector<1x1280xf32> to vector<1x1280xf32>
    %broadcast_in_dim3A_23 = vector.broadcast %broadcast_in_dim3A : vector<1x1280xf32> to vector<20x1280xf32>
    %broadcast_in_dim3A_24 = vector.broadcast %jit3A : f32 to vector<20x1280xf32>
    %select_n3A = arith.select %eq3A, %broadcast_in_dim3A_23, %broadcast_in_dim3A_24 : vector<20x1280xi1>, vector<20x1280xf32>
    %get3A_25 = arith.constant 0 : index
    %get3A_26 = arith.constant 0 : index
    %get3A_27 = arith.constant 0 : index
    %get3A_28 = vector.load %arg3[%get3A_25, %get3A_26, %get3A_27] : memref<1x512x20xf32, #tpu.memory_space<vmem>>, vector<1x512x20xf32>
    %get3A_29 = vector.shape_cast %get3A_28 : vector<1x512x20xf32> to vector<512x20xf32>
    %dot_general3A_30 = arith.constant dense<0.000000e+00> : vector<512x1280xf32>
    %dot_general3A_31 = tpu.matmul %get3A_29, %select_n3A, %dot_general3A_30 {dimension_numbers = #tpu.dot_dimension_numbers<[1], [0], [0], [1], [0, 0, 1, 1], [], []>, transpose_lhs_hint = false} : vector<512x20xf32>, vector<20x1280xf32>, vector<512x1280xf32> -> vector<512x1280xf32>
    %slice3A_32 = vector.extract_strided_slice %get3A_6 {offsets = [4, 0], sizes = [1, 64], strides = [1, 1]} : vector<6x64xf32> to vector<1x64xf32>
    %concatenate3A_33 = tpu.concatenate %slice3A_32, %slice3A_32, %slice3A_32, %slice3A_32, %slice3A_32, %slice3A_32, %slice3A_32, %slice3A_32, %slice3A_32, %slice3A_32, %slice3A_32, %slice3A_32, %slice3A_32, %slice3A_32, %slice3A_32, %slice3A_32, %slice3A_32, %slice3A_32, %slice3A_32, %slice3A_32 in 1 : vector<1x64xf32>, vector<1x64xf32>, vector<1x64xf32>, vector<1x64xf32>, vector<1x64xf32>, vector<1x64xf32>, vector<1x64xf32>, vector<1x64xf32>, vector<1x64xf32>, vector<1x64xf32>, vector<1x64xf32>, vector<1x64xf32>, vector<1x64xf32>, vector<1x64xf32>, vector<1x64xf32>, vector<1x64xf32>, vector<1x64xf32>, vector<1x64xf32>, vector<1x64xf32>, vector<1x64xf32> -> vector<1x1280xf32>
    %jit3A_34 = arith.constant 0.000000e+00 : f32
    %broadcast_in_dim3A_35 = vector.shape_cast %concatenate3A_33 : vector<1x1280xf32> to vector<1x1280xf32>
    %broadcast_in_dim3A_36 = vector.broadcast %broadcast_in_dim3A_35 : vector<1x1280xf32> to vector<20x1280xf32>
    %broadcast_in_dim3A_37 = vector.broadcast %jit3A_34 : f32 to vector<20x1280xf32>
    %select_n3A_38 = arith.select %eq3A, %broadcast_in_dim3A_36, %broadcast_in_dim3A_37 : vector<20x1280xi1>, vector<20x1280xf32>
    %get3A_39 = arith.constant 0 : index
    %get3A_40 = arith.constant 0 : index
    %get3A_41 = arith.constant 0 : index
    %get3A_42 = vector.load %arg4[%get3A_39, %get3A_40, %get3A_41] : memref<1x512x20xf32, #tpu.memory_space<vmem>>, vector<1x512x20xf32>
    %get3A_43 = vector.shape_cast %get3A_42 : vector<1x512x20xf32> to vector<512x20xf32>
    %dot_general3A_44 = arith.constant dense<0.000000e+00> : vector<512x1280xf32>
    %dot_general3A_45 = tpu.matmul %get3A_43, %select_n3A_38, %dot_general3A_44 {dimension_numbers = #tpu.dot_dimension_numbers<[1], [0], [0], [1], [0, 0, 1, 1], [], []>, transpose_lhs_hint = false} : vector<512x20xf32>, vector<20x1280xf32>, vector<512x1280xf32> -> vector<512x1280xf32>
    %add3A_46 = arith.addf %dot_general3A_31, %dot_general3A_45 : vector<512x1280xf32>
    %slice3A_47 = vector.extract_strided_slice %get3A_6 {offsets = [5, 0], sizes = [1, 64], strides = [1, 1]} : vector<6x64xf32> to vector<1x64xf32>
    %concatenate3A_48 = tpu.concatenate %slice3A_47, %slice3A_47, %slice3A_47, %slice3A_47, %slice3A_47, %slice3A_47, %slice3A_47, %slice3A_47, %slice3A_47, %slice3A_47, %slice3A_47, %slice3A_47, %slice3A_47, %slice3A_47, %slice3A_47, %slice3A_47, %slice3A_47, %slice3A_47, %slice3A_47, %slice3A_47 in 1 : vector<1x64xf32>, vector<1x64xf32>, vector<1x64xf32>, vector<1x64xf32>, vector<1x64xf32>, vector<1x64xf32>, vector<1x64xf32>, vector<1x64xf32>, vector<1x64xf32>, vector<1x64xf32>, vector<1x64xf32>, vector<1x64xf32>, vector<1x64xf32>, vector<1x64xf32>, vector<1x64xf32>, vector<1x64xf32>, vector<1x64xf32>, vector<1x64xf32>, vector<1x64xf32>, vector<1x64xf32> -> vector<1x1280xf32>
    %jit3A_49 = arith.constant 0.000000e+00 : f32
    %broadcast_in_dim3A_50 = vector.shape_cast %concatenate3A_48 : vector<1x1280xf32> to vector<1x1280xf32>
    %broadcast_in_dim3A_51 = vector.broadcast %broadcast_in_dim3A_50 : vector<1x1280xf32> to vector<20x1280xf32>
    %broadcast_in_dim3A_52 = vector.broadcast %jit3A_49 : f32 to vector<20x1280xf32>
    %select_n3A_53 = arith.select %eq3A, %broadcast_in_dim3A_51, %broadcast_in_dim3A_52 : vector<20x1280xi1>, vector<20x1280xf32>
    %get3A_54 = arith.constant 0 : index
    %get3A_55 = arith.constant 0 : index
    %get3A_56 = arith.constant 0 : index
    %get3A_57 = vector.load %arg5[%get3A_54, %get3A_55, %get3A_56] : memref<1x512x20xf32, #tpu.memory_space<vmem>>, vector<1x512x20xf32>
    %get3A_58 = vector.shape_cast %get3A_57 : vector<1x512x20xf32> to vector<512x20xf32>
    %dot_general3A_59 = arith.constant dense<0.000000e+00> : vector<512x1280xf32>
    %dot_general3A_60 = tpu.matmul %get3A_58, %select_n3A_53, %dot_general3A_59 {dimension_numbers = #tpu.dot_dimension_numbers<[1], [0], [0], [1], [0, 0, 1, 1], [], []>, transpose_lhs_hint = false} : vector<512x20xf32>, vector<20x1280xf32>, vector<512x1280xf32> -> vector<512x1280xf32>
    %add3A_61 = arith.addf %add3A_46, %dot_general3A_60 : vector<512x1280xf32>
    %concatenate3A_62 = tpu.concatenate %add3A_12, %add3A_12, %add3A_12, %add3A_12, %add3A_12, %add3A_12, %add3A_12, %add3A_12, %add3A_12, %add3A_12, %add3A_12, %add3A_12, %add3A_12, %add3A_12, %add3A_12, %add3A_12, %add3A_12, %add3A_12, %add3A_12, %add3A_12 in 1 : vector<512x64xf32>, vector<512x64xf32>, vector<512x64xf32>, vector<512x64xf32>, vector<512x64xf32>, vector<512x64xf32>, vector<512x64xf32>, vector<512x64xf32>, vector<512x64xf32>, vector<512x64xf32>, vector<512x64xf32>, vector<512x64xf32>, vector<512x64xf32>, vector<512x64xf32>, vector<512x64xf32>, vector<512x64xf32>, vector<512x64xf32>, vector<512x64xf32>, vector<512x64xf32>, vector<512x64xf32> -> vector<512x1280xf32>
    %add3A_63 = arith.addf %add3A_61, %concatenate3A_62 : vector<512x1280xf32>
    %max3A = arith.constant 0.000000e+00 : f32
    %max3A_64 = vector.broadcast %max3A : f32 to vector<512x1280xf32>
    %max3A_65 = arith.maximumf %add3A_63, %max3A_64 : vector<512x1280xf32>
    %slice3A_66 = vector.extract_strided_slice %max3A_65 {offsets = [0, 0], sizes = [512, 64], strides = [1, 1]} : vector<512x1280xf32> to vector<512x64xf32>
    %dot_general3A_67 = arith.constant dense<0.000000e+00> : vector<512x128xf32>
    %dot_general3A_68 = tpu.matmul %slice3A_66, %get3A_15, %dot_general3A_67 {dimension_numbers = #tpu.dot_dimension_numbers<[1], [0], [0], [1], [0, 0, 1, 1], [], []>, transpose_lhs_hint = false} : vector<512x64xf32>, vector<64x128xf32>, vector<512x128xf32> -> vector<512x128xf32>
    %add3A_69 = vector.broadcast %get3A_18 : vector<1x128xf32> to vector<512x128xf32>
    %add3A_70 = arith.addf %dot_general3A_68, %add3A_69 : vector<512x128xf32>
    %max3A_71 = arith.constant 0.000000e+00 : f32
    %max3A_72 = vector.broadcast %max3A_71 : f32 to vector<512x128xf32>
    %max3A_73 = arith.maximumf %add3A_70, %max3A_72 : vector<512x128xf32>
    %slice3A_74 = vector.extract_strided_slice %max3A_65 {offsets = [0, 64], sizes = [512, 64], strides = [1, 1]} : vector<512x1280xf32> to vector<512x64xf32>
    %dot_general3A_75 = arith.constant dense<0.000000e+00> : vector<512x128xf32>
    %dot_general3A_76 = tpu.matmul %slice3A_74, %get3A_15, %dot_general3A_75 {dimension_numbers = #tpu.dot_dimension_numbers<[1], [0], [0], [1], [0, 0, 1, 1], [], []>, transpose_lhs_hint = false} : vector<512x64xf32>, vector<64x128xf32>, vector<512x128xf32> -> vector<512x128xf32>
    %add3A_77 = vector.broadcast %get3A_18 : vector<1x128xf32> to vector<512x128xf32>
    %add3A_78 = arith.addf %dot_general3A_76, %add3A_77 : vector<512x128xf32>
    %max3A_79 = arith.constant 0.000000e+00 : f32
    %max3A_80 = vector.broadcast %max3A_79 : f32 to vector<512x128xf32>
    %max3A_81 = arith.maximumf %add3A_78, %max3A_80 : vector<512x128xf32>
    %max3A_82 = arith.maximumf %max3A_73, %max3A_81 : vector<512x128xf32>
    %slice3A_83 = vector.extract_strided_slice %max3A_65 {offsets = [0, 128], sizes = [512, 64], strides = [1, 1]} : vector<512x1280xf32> to vector<512x64xf32>
    %dot_general3A_84 = arith.constant dense<0.000000e+00> : vector<512x128xf32>
    %dot_general3A_85 = tpu.matmul %slice3A_83, %get3A_15, %dot_general3A_84 {dimension_numbers = #tpu.dot_dimension_numbers<[1], [0], [0], [1], [0, 0, 1, 1], [], []>, transpose_lhs_hint = false} : vector<512x64xf32>, vector<64x128xf32>, vector<512x128xf32> -> vector<512x128xf32>
    %add3A_86 = vector.broadcast %get3A_18 : vector<1x128xf32> to vector<512x128xf32>
    %add3A_87 = arith.addf %dot_general3A_85, %add3A_86 : vector<512x128xf32>
    %max3A_88 = arith.constant 0.000000e+00 : f32
    %max3A_89 = vector.broadcast %max3A_88 : f32 to vector<512x128xf32>
    %max3A_90 = arith.maximumf %add3A_87, %max3A_89 : vector<512x128xf32>
    %max3A_91 = arith.maximumf %max3A_82, %max3A_90 : vector<512x128xf32>
    %slice3A_92 = vector.extract_strided_slice %max3A_65 {offsets = [0, 192], sizes = [512, 64], strides = [1, 1]} : vector<512x1280xf32> to vector<512x64xf32>
    %dot_general3A_93 = arith.constant dense<0.000000e+00> : vector<512x128xf32>
    %dot_general3A_94 = tpu.matmul %slice3A_92, %get3A_15, %dot_general3A_93 {dimension_numbers = #tpu.dot_dimension_numbers<[1], [0], [0], [1], [0, 0, 1, 1], [], []>, transpose_lhs_hint = false} : vector<512x64xf32>, vector<64x128xf32>, vector<512x128xf32> -> vector<512x128xf32>
    %add3A_95 = vector.broadcast %get3A_18 : vector<1x128xf32> to vector<512x128xf32>
    %add3A_96 = arith.addf %dot_general3A_94, %add3A_95 : vector<512x128xf32>
    %max3A_97 = arith.constant 0.000000e+00 : f32
    %max3A_98 = vector.broadcast %max3A_97 : f32 to vector<512x128xf32>
    %max3A_99 = arith.maximumf %add3A_96, %max3A_98 : vector<512x128xf32>
    %max3A_100 = arith.maximumf %max3A_91, %max3A_99 : vector<512x128xf32>
    %slice3A_101 = vector.extract_strided_slice %max3A_65 {offsets = [0, 256], sizes = [512, 64], strides = [1, 1]} : vector<512x1280xf32> to vector<512x64xf32>
    %dot_general3A_102 = arith.constant dense<0.000000e+00> : vector<512x128xf32>
    %dot_general3A_103 = tpu.matmul %slice3A_101, %get3A_15, %dot_general3A_102 {dimension_numbers = #tpu.dot_dimension_numbers<[1], [0], [0], [1], [0, 0, 1, 1], [], []>, transpose_lhs_hint = false} : vector<512x64xf32>, vector<64x128xf32>, vector<512x128xf32> -> vector<512x128xf32>
    %add3A_104 = vector.broadcast %get3A_18 : vector<1x128xf32> to vector<512x128xf32>
    %add3A_105 = arith.addf %dot_general3A_103, %add3A_104 : vector<512x128xf32>
    %max3A_106 = arith.constant 0.000000e+00 : f32
    %max3A_107 = vector.broadcast %max3A_106 : f32 to vector<512x128xf32>
    %max3A_108 = arith.maximumf %add3A_105, %max3A_107 : vector<512x128xf32>
    %max3A_109 = arith.maximumf %max3A_100, %max3A_108 : vector<512x128xf32>
    %slice3A_110 = vector.extract_strided_slice %max3A_65 {offsets = [0, 320], sizes = [512, 64], strides = [1, 1]} : vector<512x1280xf32> to vector<512x64xf32>
    %dot_general3A_111 = arith.constant dense<0.000000e+00> : vector<512x128xf32>
    %dot_general3A_112 = tpu.matmul %slice3A_110, %get3A_15, %dot_general3A_111 {dimension_numbers = #tpu.dot_dimension_numbers<[1], [0], [0], [1], [0, 0, 1, 1], [], []>, transpose_lhs_hint = false} : vector<512x64xf32>, vector<64x128xf32>, vector<512x128xf32> -> vector<512x128xf32>
    %add3A_113 = vector.broadcast %get3A_18 : vector<1x128xf32> to vector<512x128xf32>
    %add3A_114 = arith.addf %dot_general3A_112, %add3A_113 : vector<512x128xf32>
    %max3A_115 = arith.constant 0.000000e+00 : f32
    %max3A_116 = vector.broadcast %max3A_115 : f32 to vector<512x128xf32>
    %max3A_117 = arith.maximumf %add3A_114, %max3A_116 : vector<512x128xf32>
    %max3A_118 = arith.maximumf %max3A_109, %max3A_117 : vector<512x128xf32>
    %slice3A_119 = vector.extract_strided_slice %max3A_65 {offsets = [0, 384], sizes = [512, 64], strides = [1, 1]} : vector<512x1280xf32> to vector<512x64xf32>
    %dot_general3A_120 = arith.constant dense<0.000000e+00> : vector<512x128xf32>
    %dot_general3A_121 = tpu.matmul %slice3A_119, %get3A_15, %dot_general3A_120 {dimension_numbers = #tpu.dot_dimension_numbers<[1], [0], [0], [1], [0, 0, 1, 1], [], []>, transpose_lhs_hint = false} : vector<512x64xf32>, vector<64x128xf32>, vector<512x128xf32> -> vector<512x128xf32>
    %add3A_122 = vector.broadcast %get3A_18 : vector<1x128xf32> to vector<512x128xf32>
    %add3A_123 = arith.addf %dot_general3A_121, %add3A_122 : vector<512x128xf32>
    %max3A_124 = arith.constant 0.000000e+00 : f32
    %max3A_125 = vector.broadcast %max3A_124 : f32 to vector<512x128xf32>
    %max3A_126 = arith.maximumf %add3A_123, %max3A_125 : vector<512x128xf32>
    %max3A_127 = arith.maximumf %max3A_118, %max3A_126 : vector<512x128xf32>
    %slice3A_128 = vector.extract_strided_slice %max3A_65 {offsets = [0, 448], sizes = [512, 64], strides = [1, 1]} : vector<512x1280xf32> to vector<512x64xf32>
    %dot_general3A_129 = arith.constant dense<0.000000e+00> : vector<512x128xf32>
    %dot_general3A_130 = tpu.matmul %slice3A_128, %get3A_15, %dot_general3A_129 {dimension_numbers = #tpu.dot_dimension_numbers<[1], [0], [0], [1], [0, 0, 1, 1], [], []>, transpose_lhs_hint = false} : vector<512x64xf32>, vector<64x128xf32>, vector<512x128xf32> -> vector<512x128xf32>
    %add3A_131 = vector.broadcast %get3A_18 : vector<1x128xf32> to vector<512x128xf32>
    %add3A_132 = arith.addf %dot_general3A_130, %add3A_131 : vector<512x128xf32>
    %max3A_133 = arith.constant 0.000000e+00 : f32
    %max3A_134 = vector.broadcast %max3A_133 : f32 to vector<512x128xf32>
    %max3A_135 = arith.maximumf %add3A_132, %max3A_134 : vector<512x128xf32>
    %max3A_136 = arith.maximumf %max3A_127, %max3A_135 : vector<512x128xf32>
    %slice3A_137 = vector.extract_strided_slice %max3A_65 {offsets = [0, 512], sizes = [512, 64], strides = [1, 1]} : vector<512x1280xf32> to vector<512x64xf32>
    %dot_general3A_138 = arith.constant dense<0.000000e+00> : vector<512x128xf32>
    %dot_general3A_139 = tpu.matmul %slice3A_137, %get3A_15, %dot_general3A_138 {dimension_numbers = #tpu.dot_dimension_numbers<[1], [0], [0], [1], [0, 0, 1, 1], [], []>, transpose_lhs_hint = false} : vector<512x64xf32>, vector<64x128xf32>, vector<512x128xf32> -> vector<512x128xf32>
    %add3A_140 = vector.broadcast %get3A_18 : vector<1x128xf32> to vector<512x128xf32>
    %add3A_141 = arith.addf %dot_general3A_139, %add3A_140 : vector<512x128xf32>
    %max3A_142 = arith.constant 0.000000e+00 : f32
    %max3A_143 = vector.broadcast %max3A_142 : f32 to vector<512x128xf32>
    %max3A_144 = arith.maximumf %add3A_141, %max3A_143 : vector<512x128xf32>
    %max3A_145 = arith.maximumf %max3A_136, %max3A_144 : vector<512x128xf32>
    %slice3A_146 = vector.extract_strided_slice %max3A_65 {offsets = [0, 576], sizes = [512, 64], strides = [1, 1]} : vector<512x1280xf32> to vector<512x64xf32>
    %dot_general3A_147 = arith.constant dense<0.000000e+00> : vector<512x128xf32>
    %dot_general3A_148 = tpu.matmul %slice3A_146, %get3A_15, %dot_general3A_147 {dimension_numbers = #tpu.dot_dimension_numbers<[1], [0], [0], [1], [0, 0, 1, 1], [], []>, transpose_lhs_hint = false} : vector<512x64xf32>, vector<64x128xf32>, vector<512x128xf32> -> vector<512x128xf32>
    %add3A_149 = vector.broadcast %get3A_18 : vector<1x128xf32> to vector<512x128xf32>
    %add3A_150 = arith.addf %dot_general3A_148, %add3A_149 : vector<512x128xf32>
    %max3A_151 = arith.constant 0.000000e+00 : f32
    %max3A_152 = vector.broadcast %max3A_151 : f32 to vector<512x128xf32>
    %max3A_153 = arith.maximumf %add3A_150, %max3A_152 : vector<512x128xf32>
    %max3A_154 = arith.maximumf %max3A_145, %max3A_153 : vector<512x128xf32>
    %slice3A_155 = vector.extract_strided_slice %max3A_65 {offsets = [0, 640], sizes = [512, 64], strides = [1, 1]} : vector<512x1280xf32> to vector<512x64xf32>
    %dot_general3A_156 = arith.constant dense<0.000000e+00> : vector<512x128xf32>
    %dot_general3A_157 = tpu.matmul %slice3A_155, %get3A_15, %dot_general3A_156 {dimension_numbers = #tpu.dot_dimension_numbers<[1], [0], [0], [1], [0, 0, 1, 1], [], []>, transpose_lhs_hint = false} : vector<512x64xf32>, vector<64x128xf32>, vector<512x128xf32> -> vector<512x128xf32>
    %add3A_158 = vector.broadcast %get3A_18 : vector<1x128xf32> to vector<512x128xf32>
    %add3A_159 = arith.addf %dot_general3A_157, %add3A_158 : vector<512x128xf32>
    %max3A_160 = arith.constant 0.000000e+00 : f32
    %max3A_161 = vector.broadcast %max3A_160 : f32 to vector<512x128xf32>
    %max3A_162 = arith.maximumf %add3A_159, %max3A_161 : vector<512x128xf32>
    %max3A_163 = arith.maximumf %max3A_154, %max3A_162 : vector<512x128xf32>
    %slice3A_164 = vector.extract_strided_slice %max3A_65 {offsets = [0, 704], sizes = [512, 64], strides = [1, 1]} : vector<512x1280xf32> to vector<512x64xf32>
    %dot_general3A_165 = arith.constant dense<0.000000e+00> : vector<512x128xf32>
    %dot_general3A_166 = tpu.matmul %slice3A_164, %get3A_15, %dot_general3A_165 {dimension_numbers = #tpu.dot_dimension_numbers<[1], [0], [0], [1], [0, 0, 1, 1], [], []>, transpose_lhs_hint = false} : vector<512x64xf32>, vector<64x128xf32>, vector<512x128xf32> -> vector<512x128xf32>
    %add3A_167 = vector.broadcast %get3A_18 : vector<1x128xf32> to vector<512x128xf32>
    %add3A_168 = arith.addf %dot_general3A_166, %add3A_167 : vector<512x128xf32>
    %max3A_169 = arith.constant 0.000000e+00 : f32
    %max3A_170 = vector.broadcast %max3A_169 : f32 to vector<512x128xf32>
    %max3A_171 = arith.maximumf %add3A_168, %max3A_170 : vector<512x128xf32>
    %max3A_172 = arith.maximumf %max3A_163, %max3A_171 : vector<512x128xf32>
    %slice3A_173 = vector.extract_strided_slice %max3A_65 {offsets = [0, 768], sizes = [512, 64], strides = [1, 1]} : vector<512x1280xf32> to vector<512x64xf32>
    %dot_general3A_174 = arith.constant dense<0.000000e+00> : vector<512x128xf32>
    %dot_general3A_175 = tpu.matmul %slice3A_173, %get3A_15, %dot_general3A_174 {dimension_numbers = #tpu.dot_dimension_numbers<[1], [0], [0], [1], [0, 0, 1, 1], [], []>, transpose_lhs_hint = false} : vector<512x64xf32>, vector<64x128xf32>, vector<512x128xf32> -> vector<512x128xf32>
    %add3A_176 = vector.broadcast %get3A_18 : vector<1x128xf32> to vector<512x128xf32>
    %add3A_177 = arith.addf %dot_general3A_175, %add3A_176 : vector<512x128xf32>
    %max3A_178 = arith.constant 0.000000e+00 : f32
    %max3A_179 = vector.broadcast %max3A_178 : f32 to vector<512x128xf32>
    %max3A_180 = arith.maximumf %add3A_177, %max3A_179 : vector<512x128xf32>
    %max3A_181 = arith.maximumf %max3A_172, %max3A_180 : vector<512x128xf32>
    %slice3A_182 = vector.extract_strided_slice %max3A_65 {offsets = [0, 832], sizes = [512, 64], strides = [1, 1]} : vector<512x1280xf32> to vector<512x64xf32>
    %dot_general3A_183 = arith.constant dense<0.000000e+00> : vector<512x128xf32>
    %dot_general3A_184 = tpu.matmul %slice3A_182, %get3A_15, %dot_general3A_183 {dimension_numbers = #tpu.dot_dimension_numbers<[1], [0], [0], [1], [0, 0, 1, 1], [], []>, transpose_lhs_hint = false} : vector<512x64xf32>, vector<64x128xf32>, vector<512x128xf32> -> vector<512x128xf32>
    %add3A_185 = vector.broadcast %get3A_18 : vector<1x128xf32> to vector<512x128xf32>
    %add3A_186 = arith.addf %dot_general3A_184, %add3A_185 : vector<512x128xf32>
    %max3A_187 = arith.constant 0.000000e+00 : f32
    %max3A_188 = vector.broadcast %max3A_187 : f32 to vector<512x128xf32>
    %max3A_189 = arith.maximumf %add3A_186, %max3A_188 : vector<512x128xf32>
    %max3A_190 = arith.maximumf %max3A_181, %max3A_189 : vector<512x128xf32>
    %slice3A_191 = vector.extract_strided_slice %max3A_65 {offsets = [0, 896], sizes = [512, 64], strides = [1, 1]} : vector<512x1280xf32> to vector<512x64xf32>
    %dot_general3A_192 = arith.constant dense<0.000000e+00> : vector<512x128xf32>
    %dot_general3A_193 = tpu.matmul %slice3A_191, %get3A_15, %dot_general3A_192 {dimension_numbers = #tpu.dot_dimension_numbers<[1], [0], [0], [1], [0, 0, 1, 1], [], []>, transpose_lhs_hint = false} : vector<512x64xf32>, vector<64x128xf32>, vector<512x128xf32> -> vector<512x128xf32>
    %add3A_194 = vector.broadcast %get3A_18 : vector<1x128xf32> to vector<512x128xf32>
    %add3A_195 = arith.addf %dot_general3A_193, %add3A_194 : vector<512x128xf32>
    %max3A_196 = arith.constant 0.000000e+00 : f32
    %max3A_197 = vector.broadcast %max3A_196 : f32 to vector<512x128xf32>
    %max3A_198 = arith.maximumf %add3A_195, %max3A_197 : vector<512x128xf32>
    %max3A_199 = arith.maximumf %max3A_190, %max3A_198 : vector<512x128xf32>
    %slice3A_200 = vector.extract_strided_slice %max3A_65 {offsets = [0, 960], sizes = [512, 64], strides = [1, 1]} : vector<512x1280xf32> to vector<512x64xf32>
    %dot_general3A_201 = arith.constant dense<0.000000e+00> : vector<512x128xf32>
    %dot_general3A_202 = tpu.matmul %slice3A_200, %get3A_15, %dot_general3A_201 {dimension_numbers = #tpu.dot_dimension_numbers<[1], [0], [0], [1], [0, 0, 1, 1], [], []>, transpose_lhs_hint = false} : vector<512x64xf32>, vector<64x128xf32>, vector<512x128xf32> -> vector<512x128xf32>
    %add3A_203 = vector.broadcast %get3A_18 : vector<1x128xf32> to vector<512x128xf32>
    %add3A_204 = arith.addf %dot_general3A_202, %add3A_203 : vector<512x128xf32>
    %max3A_205 = arith.constant 0.000000e+00 : f32
    %max3A_206 = vector.broadcast %max3A_205 : f32 to vector<512x128xf32>
    %max3A_207 = arith.maximumf %add3A_204, %max3A_206 : vector<512x128xf32>
    %max3A_208 = arith.maximumf %max3A_199, %max3A_207 : vector<512x128xf32>
    %slice3A_209 = vector.extract_strided_slice %max3A_65 {offsets = [0, 1024], sizes = [512, 64], strides = [1, 1]} : vector<512x1280xf32> to vector<512x64xf32>
    %dot_general3A_210 = arith.constant dense<0.000000e+00> : vector<512x128xf32>
    %dot_general3A_211 = tpu.matmul %slice3A_209, %get3A_15, %dot_general3A_210 {dimension_numbers = #tpu.dot_dimension_numbers<[1], [0], [0], [1], [0, 0, 1, 1], [], []>, transpose_lhs_hint = false} : vector<512x64xf32>, vector<64x128xf32>, vector<512x128xf32> -> vector<512x128xf32>
    %add3A_212 = vector.broadcast %get3A_18 : vector<1x128xf32> to vector<512x128xf32>
    %add3A_213 = arith.addf %dot_general3A_211, %add3A_212 : vector<512x128xf32>
    %max3A_214 = arith.constant 0.000000e+00 : f32
    %max3A_215 = vector.broadcast %max3A_214 : f32 to vector<512x128xf32>
    %max3A_216 = arith.maximumf %add3A_213, %max3A_215 : vector<512x128xf32>
    %max3A_217 = arith.maximumf %max3A_208, %max3A_216 : vector<512x128xf32>
    %slice3A_218 = vector.extract_strided_slice %max3A_65 {offsets = [0, 1088], sizes = [512, 64], strides = [1, 1]} : vector<512x1280xf32> to vector<512x64xf32>
    %dot_general3A_219 = arith.constant dense<0.000000e+00> : vector<512x128xf32>
    %dot_general3A_220 = tpu.matmul %slice3A_218, %get3A_15, %dot_general3A_219 {dimension_numbers = #tpu.dot_dimension_numbers<[1], [0], [0], [1], [0, 0, 1, 1], [], []>, transpose_lhs_hint = false} : vector<512x64xf32>, vector<64x128xf32>, vector<512x128xf32> -> vector<512x128xf32>
    %add3A_221 = vector.broadcast %get3A_18 : vector<1x128xf32> to vector<512x128xf32>
    %add3A_222 = arith.addf %dot_general3A_220, %add3A_221 : vector<512x128xf32>
    %max3A_223 = arith.constant 0.000000e+00 : f32
    %max3A_224 = vector.broadcast %max3A_223 : f32 to vector<512x128xf32>
    %max3A_225 = arith.maximumf %add3A_222, %max3A_224 : vector<512x128xf32>
    %max3A_226 = arith.maximumf %max3A_217, %max3A_225 : vector<512x128xf32>
    %slice3A_227 = vector.extract_strided_slice %max3A_65 {offsets = [0, 1152], sizes = [512, 64], strides = [1, 1]} : vector<512x1280xf32> to vector<512x64xf32>
    %dot_general3A_228 = arith.constant dense<0.000000e+00> : vector<512x128xf32>
    %dot_general3A_229 = tpu.matmul %slice3A_227, %get3A_15, %dot_general3A_228 {dimension_numbers = #tpu.dot_dimension_numbers<[1], [0], [0], [1], [0, 0, 1, 1], [], []>, transpose_lhs_hint = false} : vector<512x64xf32>, vector<64x128xf32>, vector<512x128xf32> -> vector<512x128xf32>
    %add3A_230 = vector.broadcast %get3A_18 : vector<1x128xf32> to vector<512x128xf32>
    %add3A_231 = arith.addf %dot_general3A_229, %add3A_230 : vector<512x128xf32>
    %max3A_232 = arith.constant 0.000000e+00 : f32
    %max3A_233 = vector.broadcast %max3A_232 : f32 to vector<512x128xf32>
    %max3A_234 = arith.maximumf %add3A_231, %max3A_233 : vector<512x128xf32>
    %max3A_235 = arith.maximumf %max3A_226, %max3A_234 : vector<512x128xf32>
    %slice3A_236 = vector.extract_strided_slice %max3A_65 {offsets = [0, 1216], sizes = [512, 64], strides = [1, 1]} : vector<512x1280xf32> to vector<512x64xf32>
    %dot_general3A_237 = arith.constant dense<0.000000e+00> : vector<512x128xf32>
    %dot_general3A_238 = tpu.matmul %slice3A_236, %get3A_15, %dot_general3A_237 {dimension_numbers = #tpu.dot_dimension_numbers<[1], [0], [0], [1], [0, 0, 1, 1], [], []>, transpose_lhs_hint = false} : vector<512x64xf32>, vector<64x128xf32>, vector<512x128xf32> -> vector<512x128xf32>
    %add3A_239 = vector.broadcast %get3A_18 : vector<1x128xf32> to vector<512x128xf32>
    %add3A_240 = arith.addf %dot_general3A_238, %add3A_239 : vector<512x128xf32>
    %max3A_241 = arith.constant 0.000000e+00 : f32
    %max3A_242 = vector.broadcast %max3A_241 : f32 to vector<512x128xf32>
    %max3A_243 = arith.maximumf %add3A_240, %max3A_242 : vector<512x128xf32>
    %max3A_244 = arith.maximumf %max3A_235, %max3A_243 : vector<512x128xf32>
    %get3A_245 = arith.constant 0 : index
    %get3A_246 = arith.constant 0 : index
    %get3A_247 = vector.load %arg10[%get3A_245, %get3A_246] : memref<128x1024xf32, #tpu.memory_space<vmem>>, vector<128x1024xf32>
    %dot_general3A_248 = arith.constant dense<0.000000e+00> : vector<512x1024xf32>
    %dot_general3A_249 = tpu.matmul %max3A_244, %get3A_247, %dot_general3A_248 {dimension_numbers = #tpu.dot_dimension_numbers<[1], [0], [0], [1], [0, 0, 1, 1], [], []>, transpose_lhs_hint = false} : vector<512x128xf32>, vector<128x1024xf32>, vector<512x1024xf32> -> vector<512x1024xf32>
    %get3A_250 = arith.constant 0 : index
    %get3A_251 = arith.constant 0 : index
    %get3A_252 = vector.load %arg11[%get3A_250, %get3A_251] : memref<1x1024xf32, #tpu.memory_space<vmem>>, vector<1x1024xf32>
    %add3A_253 = vector.broadcast %get3A_252 : vector<1x1024xf32> to vector<512x1024xf32>
    %add3A_254 = arith.addf %dot_general3A_249, %add3A_253 : vector<512x1024xf32>
    %max3A_255 = arith.constant 0.000000e+00 : f32
    %max3A_256 = vector.broadcast %max3A_255 : f32 to vector<512x1024xf32>
    %max3A_257 = arith.maximumf %add3A_254, %max3A_256 : vector<512x1024xf32>
    %reduce_max3A = arith.constant dense<0xFF800000> : vector<1024xf32>
    %reduce_max3A_258 = vector.multi_reduction <maximumf>, %max3A_257, %reduce_max3A [0] : vector<512x1024xf32> to vector<1024xf32>
    %broadcast_in_dim3A_259 = vector.shape_cast %reduce_max3A_258 : vector<1024xf32> to vector<1x1024xf32>
    %broadcast_in_dim3A_260 = vector.shape_cast %broadcast_in_dim3A_259 : vector<1x1024xf32> to vector<1x1x1024xf32>
    %eq3A_261 = arith.constant 0 : i32
    %eq3A_262 = arith.cmpi eq, %arg1, %eq3A_261 : i32
    %convert_element_type3A = arith.extui %eq3A_262 : i1 to i32
    %cond3A = arith.constant 0 : i32
    %cond3A_263 = arith.cmpi ne, %convert_element_type3A, %cond3A : i32
    scf.if %cond3A_263 {
      %swap3A = arith.constant 0 : index
      %swap3A_268 = arith.constant 0 : index
      %swap3A_269 = arith.constant 0 : index
      %swap3A_270 = vector.load %arg12[%swap3A, %swap3A_268, %swap3A_269] : memref<1x1x1024xf32, #tpu.memory_space<vmem>>, vector<1x1x1024xf32>
      tpu.vector_store %arg12[%swap3A, %swap3A_268, %swap3A_269], %broadcast_in_dim3A_260 {strides = array<i32>} : memref<1x1x1024xf32, #tpu.memory_space<vmem>>, vector<1x1x1024xf32>,
    } else {
    }
    %ne3A = arith.constant 0 : i32
    %ne3A_264 = arith.cmpi ne, %arg1, %ne3A : i32
    %convert_element_type3A_265 = arith.extui %ne3A_264 : i1 to i32
    %cond3A_266 = arith.constant 0 : i32
    %cond3A_267 = arith.cmpi ne, %convert_element_type3A_265, %cond3A_266 : i32
    scf.if %cond3A_267 {
      %get3A_268 = arith.constant 0 : index
      %get3A_269 = arith.constant 0 : index
      %get3A_270 = arith.constant 0 : index
      %get3A_271 = vector.load %arg12[%get3A_268, %get3A_269, %get3A_270] : memref<1x1x1024xf32, #tpu.memory_space<vmem>>, vector<1x1x1024xf32>
      %max3A_272 = arith.maximumf %get3A_271, %broadcast_in_dim3A_260 : vector<1x1x1024xf32>
      %swap3A = arith.constant 0 : index
      %swap3A_273 = arith.constant 0 : index
      %swap3A_274 = arith.constant 0 : index
      %swap3A_275 = vector.load %arg12[%swap3A, %swap3A_273, %swap3A_274] : memref<1x1x1024xf32, #tpu.memory_space<vmem>>, vector<1x1x1024xf32>
      tpu.vector_store %arg12[%swap3A, %swap3A_273, %swap3A_274], %max3A_272 {strides = array<i32>} : memref<1x1x1024xf32, #tpu.memory_space<vmem>>, vector<1x1x1024xf32>,
    } else {
    }
    return
  }
  func.func @transform_0(%arg0: i32, %arg1: i32) -> (i32, i32, i32) {
    %c0_i32 = arith.constant 0 : i32
    %c0_i32_0 = arith.constant 0 : i32
    return %arg0, %arg1, %c0_i32 : i32, i32, i32
  }
  func.func @transform_1(%arg0: i32, %arg1: i32) -> (i32, i32, i32) {
    %c0_i32 = arith.constant 0 : i32
    %c0_i32_0 = arith.constant 0 : i32
    return %arg0, %arg1, %c0_i32 : i32, i32, i32
  }
  func.func @transform_2(%arg0: i32, %arg1: i32) -> (i32, i32, i32) {
    %c0_i32 = arith.constant 0 : i32
    %c0_i32_0 = arith.constant 0 : i32
    return %arg0, %arg1, %c0_i32 : i32, i32, i32
  }
  func.func @transform_3(%arg0: i32, %arg1: i32) -> (i32, i32, i32) {
    %c0_i32 = arith.constant 0 : i32
    %c0_i32_0 = arith.constant 0 : i32
    return %arg0, %arg1, %c0_i32 : i32, i32, i32
  }
  func.func @transform_4(%arg0: i32, %arg1: i32) -> (i32, i32) {
    %c0_i32 = arith.constant 0 : i32
    %c0_i32_0 = arith.constant 0 : i32
    %c0_i32_1 = arith.constant 0 : i32
    return %c0_i32, %c0_i32_0 : i32, i32
  }
  func.func @transform_5(%arg0: i32, %arg1: i32) -> (i32, i32) {
    %c0_i32 = arith.constant 0 : i32
    %c0_i32_0 = arith.constant 0 : i32
    %c0_i32_1 = arith.constant 0 : i32
    return %c0_i32, %c0_i32_0 : i32, i32
  }
  func.func @transform_6(%arg0: i32, %arg1: i32) -> (i32, i32) {
    %c0_i32 = arith.constant 0 : i32
    %c0_i32_0 = arith.constant 0 : i32
    %c0_i32_1 = arith.constant 0 : i32
    return %c0_i32, %c0_i32_0 : i32, i32
  }
  func.func @transform_7(%arg0: i32, %arg1: i32) -> (i32, i32) {
    %c0_i32 = arith.constant 0 : i32
    %c0_i32_0 = arith.constant 0 : i32
    %c0_i32_1 = arith.constant 0 : i32
    return %c0_i32, %c0_i32_0 : i32, i32
  }
  func.func @transform_8(%arg0: i32, %arg1: i32) -> (i32, i32) {
    %c0_i32 = arith.constant 0 : i32
    %c0_i32_0 = arith.constant 0 : i32
    %c0_i32_1 = arith.constant 0 : i32
    return %c0_i32, %c0_i32_0 : i32, i32
  }
  func.func @transform_9(%arg0: i32, %arg1: i32) -> (i32, i32) {
    %c0_i32 = arith.constant 0 : i32
    %c0_i32_0 = arith.constant 0 : i32
    %c0_i32_1 = arith.constant 0 : i32
    return %c0_i32, %c0_i32_0 : i32, i32
  }
  func.func @transform_10(%arg0: i32, %arg1: i32) -> (i32, i32, i32) {
    %c0_i32 = arith.constant 0 : i32
    %c0_i32_0 = arith.constant 0 : i32
    %c0_i32_1 = arith.constant 0 : i32
    return %arg0, %c0_i32, %c0_i32_0 : i32, i32, i32
  }
}

module attributes {stable_mosaic.version = 14 : i64} {
  func.func @_tail_body(%arg0: memref<4x1024xf32, #tpu.memory_space<vmem>>, %arg1: memref<1024x512xf32, #tpu.memory_space<vmem>>, %arg2: memref<1x512xf32, #tpu.memory_space<vmem>>, %arg3: memref<512x256xf32, #tpu.memory_space<vmem>>, %arg4: memref<1x256xf32, #tpu.memory_space<vmem>>, %arg5: memref<256x9xf32, #tpu.memory_space<vmem>>, %arg6: memref<1x9xf32, #tpu.memory_space<vmem>>, %arg7: memref<4x9xf32, #tpu.memory_space<vmem>>) attributes {dimension_semantics = [], scalar_prefetch = 0 : i64, scratch_operands = 0 : i64, tpu.core_type = #tpu.core_type<tc>} {
    %get3A = arith.constant 0 : index
    %get3A_0 = arith.constant 0 : index
    %get3A_1 = vector.load %arg0[%get3A, %get3A_0] : memref<4x1024xf32, #tpu.memory_space<vmem>>, vector<4x1024xf32>
    %get3A_2 = arith.constant 0 : index
    %get3A_3 = arith.constant 0 : index
    %get3A_4 = vector.load %arg1[%get3A_2, %get3A_3] : memref<1024x512xf32, #tpu.memory_space<vmem>>, vector<1024x512xf32>
    %dot_general3A = arith.constant dense<0.000000e+00> : vector<4x512xf32>
    %dot_general3A_5 = tpu.matmul %get3A_1, %get3A_4, %dot_general3A {dimension_numbers = #tpu.dot_dimension_numbers<[1], [0], [0], [1], [0, 0, 1, 1], [], []>, transpose_lhs_hint = false} : vector<4x1024xf32>, vector<1024x512xf32>, vector<4x512xf32> -> vector<4x512xf32>
    %get3A_6 = arith.constant 0 : index
    %get3A_7 = arith.constant 0 : index
    %get3A_8 = vector.load %arg2[%get3A_6, %get3A_7] : memref<1x512xf32, #tpu.memory_space<vmem>>, vector<1x512xf32>
    %add3A = vector.broadcast %get3A_8 : vector<1x512xf32> to vector<4x512xf32>
    %add3A_9 = arith.addf %dot_general3A_5, %add3A : vector<4x512xf32>
    %max3A = arith.constant 0.000000e+00 : f32
    %max3A_10 = vector.broadcast %max3A : f32 to vector<4x512xf32>
    %max3A_11 = arith.maximumf %add3A_9, %max3A_10 : vector<4x512xf32>
    %get3A_12 = arith.constant 0 : index
    %get3A_13 = arith.constant 0 : index
    %get3A_14 = vector.load %arg3[%get3A_12, %get3A_13] : memref<512x256xf32, #tpu.memory_space<vmem>>, vector<512x256xf32>
    %dot_general3A_15 = arith.constant dense<0.000000e+00> : vector<4x256xf32>
    %dot_general3A_16 = tpu.matmul %max3A_11, %get3A_14, %dot_general3A_15 {dimension_numbers = #tpu.dot_dimension_numbers<[1], [0], [0], [1], [0, 0, 1, 1], [], []>, transpose_lhs_hint = false} : vector<4x512xf32>, vector<512x256xf32>, vector<4x256xf32> -> vector<4x256xf32>
    %get3A_17 = arith.constant 0 : index
    %get3A_18 = arith.constant 0 : index
    %get3A_19 = vector.load %arg4[%get3A_17, %get3A_18] : memref<1x256xf32, #tpu.memory_space<vmem>>, vector<1x256xf32>
    %add3A_20 = vector.broadcast %get3A_19 : vector<1x256xf32> to vector<4x256xf32>
    %add3A_21 = arith.addf %dot_general3A_16, %add3A_20 : vector<4x256xf32>
    %max3A_22 = arith.constant 0.000000e+00 : f32
    %max3A_23 = vector.broadcast %max3A_22 : f32 to vector<4x256xf32>
    %max3A_24 = arith.maximumf %add3A_21, %max3A_23 : vector<4x256xf32>
    %get3A_25 = arith.constant 0 : index
    %get3A_26 = arith.constant 0 : index
    %get3A_27 = vector.load %arg5[%get3A_25, %get3A_26] : memref<256x9xf32, #tpu.memory_space<vmem>>, vector<256x9xf32>
    %dot_general3A_28 = arith.constant dense<0.000000e+00> : vector<4x9xf32>
    %dot_general3A_29 = tpu.matmul %max3A_24, %get3A_27, %dot_general3A_28 {dimension_numbers = #tpu.dot_dimension_numbers<[1], [0], [0], [1], [0, 0, 1, 1], [], []>, transpose_lhs_hint = false} : vector<4x256xf32>, vector<256x9xf32>, vector<4x9xf32> -> vector<4x9xf32>
    %get3A_30 = arith.constant 0 : index
    %get3A_31 = arith.constant 0 : index
    %get3A_32 = vector.load %arg6[%get3A_30, %get3A_31] : memref<1x9xf32, #tpu.memory_space<vmem>>, vector<1x9xf32>
    %add3A_33 = vector.broadcast %get3A_32 : vector<1x9xf32> to vector<4x9xf32>
    %add3A_34 = arith.addf %dot_general3A_29, %add3A_33 : vector<4x9xf32>
    %swap3A = arith.constant 0 : index
    %swap3A_35 = arith.constant 0 : index
    %swap3A_36 = vector.load %arg7[%swap3A, %swap3A_35] : memref<4x9xf32, #tpu.memory_space<vmem>>, vector<4x9xf32>
    tpu.vector_store %arg7[%swap3A, %swap3A_35], %add3A_34 {strides = array<i32>} : memref<4x9xf32, #tpu.memory_space<vmem>>, vector<4x9xf32>,
    return
  }
}

module attributes {stable_mosaic.version = 14 : i64} {
  func.func @_apply_body(%arg0: i32, %arg1: i32, %arg2: memref<1x512x3xf32, #tpu.memory_space<vmem>>, %arg3: memref<1x3x3xf32, #tpu.memory_space<vmem>>, %arg4: memref<1x512x3xf32, #tpu.memory_space<vmem>>) attributes {dimension_semantics = [#tpu.dimension_semantics<arbitrary>, #tpu.dimension_semantics<arbitrary>], iteration_bounds = array<i64: 4, 8>, scalar_prefetch = 0 : i64, scratch_operands = 0 : i64, tpu.core_type = #tpu.core_type<tc>, window_params = [{transform_indices = @transform_0, window_bounds = array<i64: 1, 512, 3>}, {transform_indices = @transform_1, window_bounds = array<i64: 1, 3, 3>}, {transform_indices = @transform_2, window_bounds = array<i64: 1, 512, 3>}]} {
    %get3A = arith.constant 0 : index
    %get3A_0 = arith.constant 0 : index
    %get3A_1 = arith.constant 0 : index
    %get3A_2 = vector.load %arg2[%get3A, %get3A_0, %get3A_1] : memref<1x512x3xf32, #tpu.memory_space<vmem>>, vector<1x512x3xf32>
    %get3A_3 = vector.shape_cast %get3A_2 : vector<1x512x3xf32> to vector<512x3xf32>
    %get3A_4 = arith.constant 0 : index
    %get3A_5 = arith.constant 0 : index
    %get3A_6 = arith.constant 0 : index
    %get3A_7 = vector.load %arg3[%get3A_4, %get3A_5, %get3A_6] : memref<1x3x3xf32, #tpu.memory_space<vmem>>, vector<1x3x3xf32>
    %get3A_8 = vector.shape_cast %get3A_7 : vector<1x3x3xf32> to vector<3x3xf32>
    %dot_general3A = arith.constant dense<0.000000e+00> : vector<512x3xf32>
    %dot_general3A_9 = tpu.matmul %get3A_3, %get3A_8, %dot_general3A {dimension_numbers = #tpu.dot_dimension_numbers<[1], [0], [0], [1], [0, 0, 1, 1], [], []>, transpose_lhs_hint = false} : vector<512x3xf32>, vector<3x3xf32>, vector<512x3xf32> -> vector<512x3xf32>
    %swap3A = arith.constant 0 : index
    %swap3A_10 = arith.constant 0 : index
    %swap3A_11 = arith.constant 0 : index
    %swap3A_12 = vector.load %arg4[%swap3A, %swap3A_10, %swap3A_11] : memref<1x512x3xf32, #tpu.memory_space<vmem>>, vector<1x512x3xf32>
    %swap3A_13 = vector.shape_cast %swap3A_12 : vector<1x512x3xf32> to vector<512x3xf32>
    %swap3A_14 = vector.shape_cast %dot_general3A_9 : vector<512x3xf32> to vector<1x512x3xf32>
    tpu.vector_store %arg4[%swap3A, %swap3A_10, %swap3A_11], %swap3A_14 {strides = array<i32>} : memref<1x512x3xf32, #tpu.memory_space<vmem>>, vector<1x512x3xf32>,
    return
  }
  func.func @transform_0(%arg0: i32, %arg1: i32) -> (i32, i32, i32) {
    %c0_i32 = arith.constant 0 : i32
    %c0_i32_0 = arith.constant 0 : i32
    return %arg0, %arg1, %c0_i32 : i32, i32, i32
  }
  func.func @transform_1(%arg0: i32, %arg1: i32) -> (i32, i32, i32) {
    %c0_i32 = arith.constant 0 : i32
    %c0_i32_0 = arith.constant 0 : i32
    %c0_i32_1 = arith.constant 0 : i32
    return %arg0, %c0_i32, %c0_i32_0 : i32, i32, i32
  }
  func.func @transform_2(%arg0: i32, %arg1: i32) -> (i32, i32, i32) {
    %c0_i32 = arith.constant 0 : i32
    %c0_i32_0 = arith.constant 0 : i32
    return %arg0, %arg1, %c0_i32 : i32, i32, i32
  }
}

</mosaic_0001>

<sc_bundles>
// kernel: kernel.7.cloned.1.call-start
scs
__scs_entry_jumppad:
0x0: {  	(pc) =	sbr.rel $0x88, $3  }
0x1: {  	(tag) =	ssettag $0x0;
	lr =	simm.s32 $0x1  }
0x2: {  	[smem:$0x3F94] =	sst lr;
	_ =	strace $0xD0000000  }
0x3: {  	_ = 	snop  }
0x4: {  	_ = 	snop  }
0x5: {  	_ = 	snop  }
0x6: {  	_ = 	snop  }
0x7: {  	_ = 	snop  }
__scs_overlays_trampoline_lowered:
0x8: {  	[smem:$0x3FA3] =	sst s0  }
0x9: {  	[smem:$0x3FA4] =	sst s1  }
0xa: {  	[smem:$0x3FA5] =	sst s2  }
0xb: {  	[smem:$0x3FA6] =	sst s3  }
0xc: {  	[smem:$0x3FA7] =	sst s4  }
0xd: {  	[smem:$0x3FA8] =	sst s5  }
0xe: {  	[smem:$0x3FA9] =	sst s6  }
0xf: {  	[smem:$0x3FAA] =	sst s7  }
0x10: {  	[smem:$0x3FAB] =	sst s8  }
0x11: {  	[smem:$0x3FAC] =	sst s9;
	s0 =	simm.s32 @!p0 $0x0  }
0x12: {  	s1 =	sld [smem:$0x3F92];
	s0 =	simm.s32 @p0 $0x1  }
0x13: {  	[smem:$0x3FAD] =	sst s0;
	s0 =	simm.s32 @!p1 $0x0  }
0x14: {  	s2 =	sld [smem:$0x3F91];
	s0 =	simm.s32 @p1 $0x1  }
0x15: {  	[smem:$0x3FAE] =	sst s0;
	s0 =	simm.s32 @!p2 $0x0  }
0x16: {  	s3 =	sld [smem:$0x3FDB];
	s0 =	simm.s32 @p2 $0x1  }
0x17: {  	s4 =	simm.s32 $0x1BF5;
	[smem:$0x3FB0] =	sst s0  }
0x18: {  	s0 =	sld [smem:$0x3F93];
	_ =	swait.ge [sflag:s4], $0x0  }
0x19: {  	s7 =	sld [smem:$0x3F94]  }
0x1a: {  	s8 =	sadd.s32 $0xFFFFE003, lr  }
0x1b: {  	s9 =	sadd.s32 $0xFFFFFEF7, lr;
	s5 =	simm.s32 $0xFFFFFFFF;
	p2 =	slt.u32 s8, $0xFFFFF086  }
0x1c: {  	p1 =	slt.u32 s9, $0xF7A;
	s5 =	simm.s32 @!p2 $0x0  }
0x1d: {  	s5 =	simm.s32 @p1 $0x1;
	p0 =	seq.s32 s7, s2  }
0x1e: {  	s7 =	smul.u32 @!p0 $0xF7A, s2;
	p2 =	seq.s32 @!p0 s5, $0x0  }
0x1f: {  	s9 =	smul.u32 $0xF7A, s1;
	s8 =	simm.s32 @!p0 $0x1BF5;
	p2 =	por !p2, p0  }
0x20: {  	[sflag:s8] =	ssyncset.s32 @!p0 $0xFFFFF086;
	s6 =	sadd.s32 @!p0 s3, s7;
	s7 =	simm.s32 @!p0 $0x108  }
0x21: {  	s3 =	sadd.s32 s3, s9;
	s6 =	sadd.s32 @!p0 $0x88, s6;
	s7 =	simm.s32 @p2 $0x1082  }
0x22: {  	[simem:s7], [sflag:s8] =	dma.local @!p0 [hbm:s6], $0xF7A  }
0x23: {  	s9 =	sor.u32 $0xD0000000, s2;
	s6 =	simm.s32 $0x108;
	_ =	swait.ge @!p0 [sflag:s8], $0x0  }
0x24: {  	s3 =	sadd.s32 $0x88, s3;
	s6 =	simm.s32 @!p1 $0x1082;
	[sflag:s4] =	ssyncset.s32 $0xFFFFF086  }
0x25: {  	[simem:s6], [sflag:s4] =	dma.local [hbm:s3], $0xF7A  }
0x26: {  	[smem:$0x3F94] =	sst s1;
	(tag) =	ssettag s2;
	_ =	strace s9  }
0x27: {  	s1 =	sld [smem:$0x3FA4]  }
0x28: {  	s2 =	sld [smem:$0x3FA5]  }
0x29: {  	s4 =	sld [smem:$0x3FA7]  }
0x2a: {  	p0 =	seq.s32 s5, $0x0;
	s5 =	sld [smem:$0x3FA8]  }
0x2b: {  	s6 =	sld [smem:$0x3FA9]  }
0x2c: {  	s7 =	sld [smem:$0x3FAA]  }
0x2d: {  	s3 =	simm.s32 $0x108;
	s8 =	sld [smem:$0x3FAB]  }
0x2e: {  	s3 =	simm.s32 @!p0 $0x1082;
	s9 =	sld [smem:$0x3FAC]  }
0x2f: {  	lr =	sadd.s32 s0, s3;
	s0 =	sld [smem:$0x3FA3]  }
0x30: {  	s3 =	sld [smem:$0x3FA6]  }
0x31: {  	[smem:$0x3FAF] =	sst s10  }
0x32: {  	s10 =	sld [smem:$0x3FAD];
	_ =	sdelay $0x3  }
0x33: {  	p0 =	seq.s32 s10, $0x1;
	s10 =	sld [smem:$0x3FAF];
	_ =	sdelay $0x3  }
0x34: {  	[smem:$0x3FAF] =	sst s10  }
0x35: {  	s10 =	sld [smem:$0x3FAE];
	_ =	sdelay $0x3  }
0x36: {  	p1 =	seq.s32 s10, $0x1;
	s10 =	sld [smem:$0x3FAF];
	_ =	sdelay $0x3  }
0x37: {  	[smem:$0x3FAF] =	sst s10  }
0x38: {  	s10 =	sld [smem:$0x3FB0]  }
0x39: {  	_ = 	snop;
	(pc) =	sbr.ind lr, $3  }
0x3a: {  	_ = 	snop  }
0x3b: {  	_ = 	snop  }
0x3c: {  	p2 =	seq.s32 s10, $0x1;
	s10 =	sld [smem:$0x3FAF]  }
0x3d: {  	_ =	shalt  }
0x3e: {  	_ =	shalt  }
0x3f: {  	_ =	shalt  }
0x40: {  	_ =	shalt  }
0x41: {  	_ =	shalt  }
0x42: {  	_ =	shalt  }
0x43: {  	_ =	shalt  }
0x44: {  	_ =	shalt  }
0x45: {  	_ =	shalt  }
0x46: {  	_ =	shalt  }
0x47: {  	_ =	shalt  }
0x48: {  	_ =	shalt  }
0x49: {  	_ =	shalt  }
0x4a: {  	_ =	shalt  }
0x4b: {  	_ =	shalt  }
0x4c: {  	_ =	shalt  }
0x4d: {  	_ =	shalt  }
0x4e: {  	_ =	shalt  }
0x4f: {  	_ =	shalt  }
0x50: {  	_ =	shalt  }
0x51: {  	_ =	shalt  }
0x52: {  	_ =	shalt  }
0x53: {  	_ =	shalt  }
0x54: {  	_ =	shalt  }
0x55: {  	_ =	shalt  }
0x56: {  	_ =	shalt  }
0x57: {  	_ =	shalt  }
0x58: {  	_ =	shalt  }
0x59: {  	_ =	shalt  }
0x5a: {  	_ =	shalt  }
0x5b: {  	_ =	shalt  }
0x5c: {  	_ =	shalt  }
0x5d: {  	_ =	shalt  }
0x5e: {  	_ =	shalt  }
0x5f: {  	_ =	shalt  }
0x60: {  	_ =	shalt  }
0x61: {  	_ =	shalt  }
0x62: {  	_ =	shalt  }
0x63: {  	_ =	shalt  }
0x64: {  	_ =	shalt  }
0x65: {  	_ =	shalt  }
0x66: {  	_ =	shalt  }
0x67: {  	_ =	shalt  }
0x68: {  	_ =	shalt  }
0x69: {  	_ =	shalt  }
0x6a: {  	_ =	shalt  }
0x6b: {  	_ =	shalt  }
0x6c: {  	_ =	shalt  }
0x6d: {  	_ =	shalt  }
0x6e: {  	_ =	shalt  }
0x6f: {  	_ =	shalt  }
0x70: {  	_ =	shalt  }
0x71: {  	_ =	shalt  }
0x72: {  	_ =	shalt  }
0x73: {  	_ =	shalt  }
0x74: {  	_ =	shalt  }
0x75: {  	_ =	shalt  }
0x76: {  	_ =	shalt  }
0x77: {  	_ =	shalt  }
0x78: {  	_ =	shalt  }
0x79: {  	_ =	shalt  }
0x7a: {  	_ =	shalt  }
0x7b: {  	_ =	shalt  }
0x7c: {  	_ =	shalt  }
0x7d: {  	_ =	shalt  }
0x7e: {  	_ =	shalt  }
0x7f: {  	_ =	shalt  }
0x80: {  	_ =	shalt  }
0x81: {  	_ =	shalt  }
0x82: {  	_ =	shalt  }
0x83: {  	_ =	shalt  }
0x84: {  	_ =	shalt  }
0x85: {  	_ =	shalt  }
0x86: {  	_ =	shalt  }
0x87: {  	_ =	shalt  }
.Lfunc_end0:
.L_simem_size_0:
called_computation_lowered:
.L_overlay_start_0:
0x88: {  	s2 =	sld [smem:$0x3FD9]  }
0x89: {  	s3 =	sld [smem:$0x3FFE];
	_ =	sdelay $0x1  }
0x8a: {  	s1 =	srdreg.scid  }
0x8b: {  	s0 =	sand.u32 $0x1, s1  }
0x8c: {  	s17 =	sshll.u32 s0, $0xA;
	s2 =	sadd.s32 s3, s2  }
0x8d: {  	s2 =	sadd.s32 s2, s17  }
0x8e: {  	[smem:$0x3FBB] =	sst s2  }
0x8f: {  	_ = 	snop  }
0x90: {  	s2 =	sld [smem:$0x3FD0];
	(tm) =	ssettm $0x1  }
0x91: {  	s18 =	sld [smem:$0x3FFB];
	_ =	sdelay $0x3  }
0x92: {  	_ =	strace s18  }
0x93: {  	s3 =	sld [smem:$0x3FFC];
	_ =	sdelay $0x3  }
0x94: {  	_ =	strace s3  }
0x95: {  	s3 =	sld [smem:$0x3FFD];
	_ =	sdelay $0x3  }
0x96: {  	_ =	strace s3  }
0x97: {  	_ =	strace $0x8FFFFFFF  }
0x98: {  	s19 =	sld [smem:$0x3FDB];
	_ =	sdelay $0x1  }
0x99: {  	s4 =	simm.s32 $_scs_section_size  }
0x9a: {  	s5 =	simm.s32 $_size__tile_overlayer_lowered;
	s6 =	simm.s32 $_tile_overlayer_lowered  }
0x9b: {  	s22 =	simm.s32 $0x1BFF;
	s21 =	sshll.u32 s6, $0x1;
	s3 =	sadd.s32 s4, s19  }
0x9c: {  	s7 =	simm.s32 $0x0;
	s20 =	sshll.u32 s5, $0x1;
	s5 =	sadd.s32 s21, s3  }
0x9d: {  	[timem:s7], [sflag:s22] =	dma.local [hbm:s5], s20  }
0x9e: {  	_ =	swait.ge [sflag:s22], s20  }
0x9f: {  	s4 =	ssub.s32 $0x0, s20;
	[sflag:s22] =	ssyncset.done $0x0  }
0xa0: {  	[sflag:s22] =	ssyncadd.s32 s4;
	_ =	sdelay $0x1  }
0xa1: {  	s23 =	simm.s32 $0x1B8B  }
0xa2: {  	_ =	swait.ge [sflag:s23], $0x1  }
0xa3: {  	[sflag:s23] =	ssyncset.done $0x0  }
0xa4: {  	s25 =	simm.s32 $0x1B8E;
	s24 =	sld [smem:$0x3FFE];
	[sflag:s23] =	ssyncadd.s32 $0xFFFFFFFF  }
0xa5: {  	s26 =	simm.s32 $execute0_lowered;
	[smem:$0x3FD2] =	sst s25  }
0xa6: {  	s5 =	sshll.u32 s26, $0x1;
	_ =	strace $0x80000046;
	[dreg:$0x1] =	wrdreg $0xFFFFFFFF  }
0xa7: {  	s28 =	simm.s32 $_size_execute0_lowered;
	s3 =	sadd.s32 s3, s5;
	[dreg:$0x0] =	wrdreg $0x0  }
0xa8: {  	s5 =	sshll.u32 s28, $0x1;
	[dreg:$0x2] =	wrdreg s3  }
0xa9: {  	[dreg:$0x3] =	wrdreg s5  }
0xaa: {  	[dreg:$0x4] =	wrdreg $0xC0  }
0xab: {  	_ =	task [dreg:s7], $0x5FFFF  }
0xac: {  	[dreg:$0x1] =	wrdreg $0xFFFFFFFF  }
0xad: {  	[dreg:$0x0] =	wrdreg $0x60  }
0xae: {  	[dreg:$0x2] =	wrdreg s2  }
0xaf: {  	[dreg:$0x3] =	wrdreg s24  }
0xb0: {  	[dreg:$0x4] =	wrdreg $0x9  }
0xb1: {  	_ =	task.clear_ibuf [dreg:s7], $0x5FFFF;
	_ =	strace $0x90000046  }
0xb2: {  	s29 =	simm.s32 $0x9;
	_ =	strace $0x80000048  }
0xb3: {  	_ =	swait.ge [sflag:s29], $0x1  }
0xb4: {  	[sflag:s29] =	ssyncadd.s32 $0xFFFFFFFF  }
0xb5: {  	_ =	strace $0x90000048  }
0xb6: {  	_ =	sfence  }
0xb7: {  	s30 =	sld [smem:$0x0];
	_ =	sdelay $0x2  }
0xb8: {  	s31 =	sshll.u32 s1, $0xD;
	s1 =	sshrl.u32 s1, $0x2  }
0xb9: {  	s3 =	sand.u32 $0x4000, s31;
	s1 =	sadd.s32 s1, s30  }
0xba: {  	s0 =	sor.u32 s3, s0;
	s1 =	sshll.u32 s1, $0x11  }
0xbb: {  	s0 =	sor.u32 s1, s0  }
0xbc: {  	s0 =	sadd.s32 $0x8F2B, s0  }
0xbd: {  	[sflag:s0] =	ssyncadd.remote.s32 $0x1  }
0xbe: {  	_ =	sfence.sel $0xFFFF  }
0xbf: {  	[dreg:$0x0] =	wrdreg $0xFFFFFFFF;
	(pc) =	sbr.abs _section_cstart, $3  }
0xc0: {  	[dreg:$0x1] =	wrdreg $0xFFFFFFFF  }
0xc1: {  	_ =	task.clear_ibuf [dreg:s7], $0x2FFFF;
	_ =	strace $0x9FFFFFFF  }
0xc2: {  	(tm) =	ssettm $0x7FFFFFFF  }
0xc3: {  	_ =	shalt  }
tec
execute0_lowered:
.L_overlay_start_1:
0x0: {  	(tag) =	ssettag $0x1  }
0x1: {  	s2 =	rddreg [dreg:$0x0];
	s1 =	srdreg.scid  }
0x2: {  	s0 =	stileid.u32;
	s5 =	rddreg [dreg:$0x1]  }
0x3: {  	s3 =	simm.s32 $0x0;
	s11 =	simm.s32 $0x1;
	s12 =	simm.s32 $0x4000  }
0x4: {  	s13 =	simm.s32 $0x8000;
	s14 =	simm.s32 $0xC000;
	s15 =	simm.s32 $0xE800  }
0x5: {  	s16 =	simm.s32 $0x11000;
	s4 =	sand.u32 $0x1, s1;
	s6 =	sshll.u32 s0, $0x1  }
0x6: {  	s17 =	simm.s32 $0x13800;
	s18 =	simm.s32 $0x0;
	s6 =	sor.u32 s4, s6  }
0x7: {  	[smem:$0x7FF] =	sst s3;
	s7 =	ssub.s32 $0x2, s4;
	s6 =	smul.u32 $0x500, s6  }
0x8: {  	s1 =	rddreg [dreg:$0x2];
	_ =	strace $0x80000047;
	s31 =	sshrl.u32 s7, $0x1  }
0x9: {  	s4 =	sadd.s32 $0xD000, s5;
	s10 =	ssub.s32 s7, s31;
	s9 =	sadd.s32 s6, s5  }
0xa: {  	s5 =	sadd.s32 $0xC800, s5;
	s10 =	smax.u32 s10, $0x1;
	s6 =	sadd.s32 $0x2800, s9  }
0xb: {  	s7 =	sadd.s32 $0xD800, s9;
	s8 =	sadd.s32 $0x17800, s9;
	s9 =	sadd.s32 $0x21800, s9  }
.LBB2_1:
0xc: {  	[tilespmem:s3], [sflag:$0x1] =	stream.linear.gather [hbm4b:s2+s3], $0x4000, $0x38;
	[tilespmem:$0x16000] =	vst v63  }
0xd: {  	_ =	swait.ge [sflag:s11], $0x4000  }
0xe: {  	[sflag:s11] =	ssyncset.done $0x0  }
0xf: {  	[sflag:s11] =	ssyncadd.s32 $0xFFFFC000  }
0x10: {  	[tilespmem:s12], [sflag:$0x1] =	stream.linear.gather [hbm4b:s4+s3], $0x4000, $0x38;
	[tilespmem:$0x16000] =	vst v63  }
0x11: {  	_ =	swait.ge [sflag:s11], $0x4000  }
0x12: {  	[sflag:s11] =	ssyncset.done $0x0  }
0x13: {  	[sflag:s11] =	ssyncadd.s32 $0xFFFFC000  }
0x14: {  	[tilespmem:s13], [sflag:$0x1] =	stream.linear.gather [hbm4b:s5+s3], $0x4000, $0x38;
	[tilespmem:$0x16000] =	vst v63  }
0x15: {  	_ =	swait.ge [sflag:s11], $0x4000  }
0x16: {  	[sflag:s11] =	ssyncset.done $0x0  }
0x17: {  	[sflag:s11] =	ssyncadd.s32 $0xFFFFC000  }
0x18: {  	[tilespmem:s14], [sflag:$0x1] =	stream.linear.gather [hbm4b:s6+s3], $0x2800, $0x38;
	[tilespmem:$0x16000] =	vst v63  }
0x19: {  	_ =	swait.ge [sflag:s11], $0x2800  }
0x1a: {  	[sflag:s11] =	ssyncset.done $0x0  }
0x1b: {  	s19 =	simm.s32 $0x0;
	[sflag:s11] =	ssyncadd.s32 $0xFFFFD800  }
0x1c: {  	v0 =	vld [tilespmem:s19+$0xC000];
	_ =	sdelay $0x7  }
0x1d: {  	v1 =	vld.idx.msk [tilespmem:v0+s3+$0x0], $0xffff;
	_ =	sdelay $0x4  }
0x1e: {  	[tilespmem:s19+$0xE800] =	vst v1  }
0x1f: {  	v1 =	vld.idx.msk [tilespmem:v0+s12+$0x0], $0xffff;
	_ =	sdelay $0x3  }
0x20: {  	s21 =	simm.s32 $0x10;
	s20 =	simm.s32 $0x80  }
.LBB2_2:
0x21: {  	p0 =	sne.s32 s20, $0x9FC0;
	v2 =	vld [tilespmem:s21+$0xC000];
	[tilespmem:s19+$0x11000] =	vst v1  }
0x22: {  	v1 =	vld.idx.msk [tilespmem:v0+s13+$0x0], $0xffff;
	_ =	sdelay $0x3  }
0x23: {  	v0 =	vmov v2;
	_ =	sdelay $0x1  }
0x24: {  	[tilespmem:s19+$0x13800] =	vst v1;
	s19 =	smov.u32 s21  }
0x25: {  	v1 =	vld.idx.msk [tilespmem:v2+s3+$0x0], $0xffff;
	_ =	sdelay $0x5  }
0x26: {  	[tilespmem:s19+$0xE800] =	vst v1  }
0x27: {  	v1 =	vld.idx.msk [tilespmem:v2+s12+$0x0], $0xffff  }
.Ltmp0:
0x28: {  	(pc) =	sbr.rel @p0 .LBB2_2-.Ltmp0, $2  }
0x29: {  	_ =	sdelay $0x2  }
0x2a: {  	s21 =	sshra.s32 s20, $0x2;
	s20 =	sadd.s32 $0x40, s20  }
0x2b: {  	_ =	sdelay $0x1  }
0x2c: {  	v2 =	vld [tilespmem:s21+$0xC000]  }
0x2d: {  	[tilespmem:s19+$0x11000] =	vst v1  }
0x2e: {  	v0 =	vld.idx.msk [tilespmem:v0+s13+$0x0], $0xffff;
	_ =	sdelay $0x4  }
0x2f: {  	[tilespmem:s19+$0x13800] =	vst v0  }
0x30: {  	v0 =	vld.idx.msk [tilespmem:v2+s3+$0x0], $0xffff;
	_ =	sdelay $0x4  }
0x31: {  	[tilespmem:s21+$0xE800] =	vst v0  }
0x32: {  	v0 =	vld.idx.msk [tilespmem:v2+s12+$0x0], $0xffff;
	_ =	sdelay $0x4  }
0x33: {  	[tilespmem:s21+$0x11000] =	vst v0  }
0x34: {  	v0 =	vld.idx.msk [tilespmem:v2+s13+$0x0], $0xffff;
	_ =	sdelay $0x4  }
0x35: {  	[tilespmem:s21+$0x13800] =	vst v0  }
0x36: {  	[hbm4b:s7+s3] =	stream.linear.scatter [tilespmem:s15], [sflag:$0x1], $0x2800, $0x38;
	[tilespmem:$0x16000] =	vst v63  }
0x37: {  	_ =	swait.ge [sflag:s11], $0x2800  }
0x38: {  	[sflag:s11] =	ssyncset.done $0x0  }
0x39: {  	[sflag:s11] =	ssyncadd.s32 $0xFFFFD800  }
0x3a: {  	[hbm4b:s8+s3] =	stream.linear.scatter [tilespmem:s16], [sflag:$0x1], $0x2800, $0x38;
	[tilespmem:$0x16000] =	vst v63  }
0x3b: {  	s18 =	sadd.s32 $0x1, s18;
	_ =	swait.ge [sflag:s11], $0x2800  }
0x3c: {  	p0 =	sne.s32 s18, s10;
	[sflag:s11] =	ssyncset.done $0x0  }
.Ltmp1:
0x3d: {  	[sflag:s11] =	ssyncadd.s32 $0xFFFFD800;
	(pc) =	sbr.rel @p0 .LBB2_1-.Ltmp1, $4  }
0x3e: {  	[hbm4b:s9+s3] =	stream.linear.scatter [tilespmem:s17], [sflag:$0x1], $0x2800, $0x38;
	[tilespmem:$0x16000] =	vst v63  }
0x3f: {  	_ =	swait.ge [sflag:s11], $0x2800  }
0x40: {  	[sflag:s11] =	ssyncset.done $0x0  }
0x41: {  	[sflag:s11] =	ssyncadd.s32 $0xFFFFD800  }
0x42: {  	_ =	sfence.sel $0x180000  }
0x43: {  	[bflag:$0x0] =	sbarrier.arrive $0xFFFF  }
0x44: {  	p0 =	sne.s32 s0, $0x0;
	_ =	strace $0x90000047  }
0x45: {  	s0 =	sadd.s32 @!p0 $0x100000, s1;
	[bflag:$0x2] =	sbarrier.arrive $0xFFFF  }
0x46: {  	[sflag:s0] =	ssyncadd.tile.s32 @!p0 $0x1;
	_ =	shalt  }
.Lfunc_end2:
_tile_overlayer_lowered:
.L_overlay_start_2:
0x47: {  	(tag) =	ssettag $0x2  }
0x48: {  	s0 =	rddreg [dreg:$0x0];
	s2 =	stileid.u32  }
0x49: {  	s1 =	rddreg [dreg:$0x1];
	p0 =	sne.s32 s2, $0x0  }
0x4a: {  	s3 =	rddreg [dreg:$0x2];
	[bflag:$0x3] =	sbarrier.arrive $0xFFFF;
	s2 =	simm.s32 @!p0 $0x1C01  }
0x4b: {  	[timem:s3], [sflag:s2] =	dma.local @!p0 [hbm:s0], s1  }
0x4c: {  	s0 =	simm.s32 @!p0 $0x1  }
0x4d: {  	_ =	swait.ge @!p0 [sflag:s0], s1  }
0x4e: {  	s1 =	ssub.s32 @!p0 $0x0, s1;
	[sflag:s0] =	ssyncset.done @!p0 $0x0  }
0x4f: {  	[sflag:s0] =	ssyncadd.s32 @!p0 s1  }
0x50: {  	[bflag:$0x3] =	sbarrier.arrive $0xFFFF  }
0x51: {  	_ =	shalt  }

</sc_bundles>
